<compile_context>
chip_gen: v7x
topology: tpu7x:2x2x1
jax: 0.10.2.dev20260603
libtpu: 0.0.44.dev20260713+nightly
codegen_flags: <defaults>
</compile_context>

<pallas_src>
import numpy as np
import jax
import jax.numpy as jnp
from jax.experimental import pallas as pl
from jax.experimental.pallas import tpu as pltpu

LATENT = 16
HIDDEN = 128
NSTEPS = 100
NLAYERS = 3
B = 64
NPAD = 64
XPAD = 8

NT = B // 2
_offs = (np.arange(B) * (np.arange(B) - 1)) // 2
_r = np.arange(NPAD)[None, :]
_p = np.arange(NT)[:, None]
_in1 = _r < _p
_in2 = (_r >= _p) & (_r < NPAD - 1)
_SRC_NP = np.where(
    _in1, _offs[np.minimum(_p, B - 1)] + _r,
    np.where(_in2, _offs[B - 1 - _p] + (_r - _p), 0)).astype(np.int32)
_VALID_NP = (_in1 | _in2)
_FREQS_NP = np.exp(-np.log(10000.0) * np.arange(HIDDEN // 2)
                   / (HIDDEN // 2 - 1)).astype(np.float32).reshape(1, -1)


def _body(ab_s, beta_s, bx_s,
          H0b, X0b, Cb, eXb, eHb, cidb, gmb,
          freqs_in, Win1, bin1, Win2, bin2, Win3, bin3,
          A1, A2, wd3, Dce, bea, Web, beb, WxT,
          Wna, bna, Wnb, bnb, Wh2i, bh2i,
          out, xw_scr):
    p = pl.program_id(0)

    iota_r = jax.lax.broadcasted_iota(jnp.int32, (NPAD, 1), 0)
    rb = iota_r < p
    rowsel = rb.astype(jnp.float32)
    ab1 = ab_s[p]
    ab2 = ab_s[B - 1 - p]
    abr = rowsel * ab1 + (1.0 - rowsel) * ab2
    sa = jnp.sqrt(abr)
    sb = jnp.sqrt(1.0 - abr)
    gm = gmb[0, 0, :].reshape(NPAD, 1)

    o1 = (p * (p - 1)) // 2
    q = B - 1 - p
    o2 = (q * (q - 1)) // 2 + q - NPAD

    def win(ref):
        w1 = ref[pl.ds(o1, NPAD), :]
        w2 = ref[pl.ds(o2, NPAD), :]
        w2s = jnp.concatenate([w2[1:NPAD], w2[0:1]], axis=0)
        return jnp.where(rb, w1, w2s)

    H0 = win(H0b)
    X0 = win(X0b)
    cond = win(Cb)
    eX = win(eXb)
    eH = win(eHb)

    Xn0 = gm * (sa * X0 + sb * eX) + (1.0 - gm) * X0
    Hn = gm * (sa * H0 + sb * eH) + (1.0 - gm) * H0

    freqs = freqs_in[...]
    te1 = beta_s[p] * freqs
    te2 = beta_s[B - 1 - p] * freqs
    te1 = jnp.concatenate([jnp.sin(te1), jnp.cos(te1)], axis=1)
    te2 = jnp.concatenate([jnp.sin(te2), jnp.cos(te2)], axis=1)
    te = rowsel * te1 + (1.0 - rowsel) * te2

    feat = jnp.concatenate([Hn, cond, te], axis=1)
    h = jnp.maximum(
        jnp.dot(feat, Win1[...], preferred_element_type=jnp.float32)
        + bin1[...], 0.0)
    h = jnp.maximum(
        jnp.dot(h, Win2[...], preferred_element_type=jnp.float32)
        + bin2[...], 0.0)
    h = jnp.dot(h, Win3[...], preferred_element_type=jnp.float32) + bin3[...]

    cid = cidb[0]
    CEm = (cid.reshape(NPAD, 1) == cid.reshape(1, NPAD)).astype(jnp.float32)
    jota = jax.lax.broadcasted_iota(jnp.int32, (1, NPAD), 1)
    validj = (jota < NPAD - 1).astype(jnp.float32)
    rsj = rowsel.reshape(1, NPAD)
    Mpair = (rowsel * rsj + (1.0 - rowsel) * (1.0 - rsj)) * validj
    pf = p.astype(jnp.float32)
    invr = rowsel / (pf + 1.0) + (1.0 - rowsel) / (64.0 - pf)

    Mpair_bf = Mpair.astype(jnp.bfloat16)
    Xn = Xn0
    for l in range(NLAYERS):
        P = (jnp.dot(h, A1[l], preferred_element_type=jnp.float32)
             + bea[l])
        Q = jnp.dot(h, A2[l], preferred_element_type=jnp.float32)
        n2 = jnp.sum(Xn * Xn, axis=1, keepdims=True)
        G = jnp.dot(Xn, Xn.T, preferred_element_type=jnp.float32)
        D2 = n2 + n2.reshape(1, NPAD) - 2.0 * G
        Pb = P.astype(jnp.bfloat16)
        Qb = Q.astype(jnp.bfloat16)
        D2b = D2.astype(jnp.bfloat16)
        CEb = CEm.astype(jnp.bfloat16)
        E = (Pb.reshape(NPAD, 1, HIDDEN)
             + Qb.reshape(1, NPAD, HIDDEN)
             + D2b.reshape(NPAD, NPAD, 1) * wd3[l].reshape(1, 1, HIDDEN)
             + CEb.reshape(NPAD, NPAD, 1) * Dce[l].reshape(1, 1, HIDDEN))
        M1 = jnp.maximum(E, jnp.bfloat16(0.0)).reshape(NPAD * NPAD, HIDDEN)
        M2 = jnp.maximum(
            jnp.dot(M1, Web[l], preferred_element_type=jnp.float32)
            + beb[l], 0.0).astype(jnp.bfloat16)
        vcol = jnp.dot(M2, WxT[l],
                       preferred_element_type=jnp.float32)
        M2m = (M2.reshape(NPAD, NPAD, HIDDEN)
               * Mpair_bf.reshape(NPAD, NPAD, 1))
        xw_scr[...] = vcol.reshape(NPAD, NPAD)
        XW = jnp.tanh(xw_scr[...] + bx_s[l]) * Mpair
        agg = jnp.sum(M2m, axis=1).astype(jnp.float32) * invr
        S = jnp.sum(XW, axis=1, keepdims=True)
        Xn = Xn + (Xn * S
                   - jnp.dot(XW, Xn,
                             preferred_element_type=jnp.float32)) * invr
        nh = jnp.concatenate([h, agg], axis=1)
        h = (h
             + jnp.dot(
                 jnp.maximum(
                     jnp.dot(nh, Wna[l], preferred_element_type=jnp.float32)
                     + bna[l], 0.0),
                 Wnb[l], preferred_element_type=jnp.float32)
             + bnb[l])

    nH = jnp.dot(h, Wh2i[...], preferred_element_type=jnp.float32) + bh2i[...]
    exd = (Xn - Xn0) - eX
    pX = jnp.sum(jnp.sum(exd * exd, axis=1, keepdims=True) * gm)
    ehd = (nH - Hn) - eH
    pH = jnp.sum(jnp.sum(ehd * ehd, axis=1, keepdims=True) * gm)
    pD = jnp.sum(gm)
    lane = jax.lax.broadcasted_iota(jnp.int32, (1, HIDDEN), 1)
    vec = (jnp.where(lane == 0, pX, 0.0)
           + jnp.where(lane == 1, pH, 0.0)
           + jnp.where(lane == 2, pD, 0.0))
    out[...] = vec.reshape(1, 1, HIDDEN)


def kernel(H_0, X_0, cond_embedding, chain_ids, generate_mask, lengths, t,
           Win1, bin1, Win2, bin2, Win3, bin3, Wh2i, bh2i, Eemb,
           We_a, be_a, We_b, be_b, Wx, bx, Wn_a, bn_a, Wn_b, bn_b):
    kx, kh = jax.random.split(jax.random.key(42))
    eps_X = jax.random.normal(kx, X_0.shape, dtype=jnp.float32)
    eps_H = jax.random.normal(kh, H_0.shape, dtype=jnp.float32)
    betas = jnp.concatenate([jnp.zeros(1), jnp.linspace(1e-4, 0.02, NSTEPS)])
    abars = jnp.cumprod(1.0 - betas)
    ab_vec = abars[t].astype(jnp.float32)
    beta_vec = betas[t].astype(jnp.float32)

    src = jnp.asarray(_SRC_NP).reshape(-1)
    vf = jnp.asarray(_VALID_NP.astype(np.float32))

    H0p = H_0
    X0p = jnp.pad(X_0, ((0, 0), (0, XPAD - 3)))
    condp = cond_embedding
    eXp = jnp.pad(eps_X, ((0, 0), (0, XPAD - 3)))
    eHp = eps_H
    cidp = chain_ids.astype(jnp.int32)[src].reshape(NT, 1, NPAD)
    gmp = (generate_mask.astype(jnp.float32)[src].reshape(NT, 1, NPAD)
           * vf.reshape(NT, 1, NPAD))

    A1 = We_a[:, :HIDDEN, :]
    A2 = We_a[:, HIDDEN:2 * HIDDEN, :]
    wd3 = We_a[:, 2 * HIDDEN:2 * HIDDEN + 1, :]
    CeW = jnp.einsum('ec,lch->leh', Eemb, We_a[:, 2 * HIDDEN + 1:, :])
    Ce0 = CeW[:, 0:1, :].reshape(NLAYERS, 1, HIDDEN)
    Ce1 = CeW[:, 1:2, :].reshape(NLAYERS, 1, HIDDEN)
    Dce = Ce0 - Ce1
    bea2 = be_a.reshape(NLAYERS, 1, HIDDEN) + Ce1

    blk = lambda shp: pl.BlockSpec(shp, lambda b: (b, 0, 0))
    rep = lambda arr: pl.BlockSpec(arr.shape,
                                   lambda b, _n=arr.ndim: (0,) * _n)
    smem = pl.BlockSpec(memory_space=pltpu.SMEM)

    weights = [jnp.asarray(_FREQS_NP),
               Win1, bin1.reshape(1, HIDDEN), Win2, bin2.reshape(1, HIDDEN),
               Win3, bin3.reshape(1, HIDDEN),
               A1, A2, wd3.astype(jnp.bfloat16), Dce.astype(jnp.bfloat16),
               bea2,
               We_b.astype(jnp.bfloat16),
               be_b.reshape(NLAYERS, 1, HIDDEN),
               Wx.astype(jnp.bfloat16),
               Wn_a, bn_a.reshape(NLAYERS, 1, HIDDEN),
               Wn_b, bn_b.reshape(NLAYERS, 1, HIDDEN),
               Wh2i, bh2i.reshape(1, LATENT)]

    res = pl.pallas_call(
        _body,
        grid=(NT,),
        in_specs=[smem, smem, smem,
                  rep(H0p), rep(X0p), rep(condp), rep(eXp), rep(eHp),
                  blk((1, 1, NPAD)), blk((1, 1, NPAD))]
                 + [rep(w) for w in weights],
        out_specs=pl.BlockSpec((1, 1, HIDDEN), lambda b: (b, 0, 0)),
        out_shape=jax.ShapeDtypeStruct((NT, 1, HIDDEN), jnp.float32),
        scratch_shapes=[pltpu.VMEM((NPAD, NPAD), jnp.float32)],
        compiler_params=pltpu.CompilerParams(
            dimension_semantics=("parallel",)),
    )(ab_vec, beta_vec, bx.reshape(-1),
      H0p, X0p, condp, eXp, eHp, cidp, gmp, *weights)

    tot = jnp.sum(res, axis=(0, 1))
    denom = tot[2] + 1e-8
    return jnp.stack([tot[0] / denom, tot[1] / denom])

# --- scband reference (transcript-rebuilt; emitter-appended) ---
"""Pipeline reference for scband-full-dpm-65824668778947 (READ-ONLY COPY).

The authoritative reference and input builder live on the scoring server;
editing this copy changes nothing except your own understanding.
"""

import jax, jax.numpy as jnp
import numpy as np

LATENT = 16
HIDDEN = 128
EDGE_EMB = 32
NSTEPS = 100
NLAYERS = 3
B = 64
N = 2016


def _sinusoidal(beta, dim):
    half = dim // 2
    freqs = jnp.exp(-np.log(10000.0) * jnp.arange(half) / (half - 1))
    args = beta[:, None] * freqs[None, :]
    return jnp.concatenate([jnp.sin(args), jnp.cos(args)], axis=-1)


def _build_edges(lengths, chain_ids):
    nb = lengths.shape[0]
    lengths_np = np.arange(nb)
    offs = np.concatenate([[0], np.cumsum(lengths_np)])
    rows = []
    cols = []
    for i in range(nb):
        idx = np.arange(offs[i], offs[i + 1])
        rows.append(np.repeat(idx, len(idx)))
        cols.append(np.tile(idx, len(idx)))
    row = jnp.asarray(np.concatenate(rows).astype(np.int32))
    col = jnp.asarray(np.concatenate(cols).astype(np.int32))
    is_ctx = chain_ids[row] == chain_ids[col]
    perm = jnp.argsort(jnp.logical_not(is_ctx), stable=True)
    row2 = row[perm]
    col2 = col[perm]
    etypes = jnp.logical_not(is_ctx)[perm].astype(jnp.int32)
    return row2, col2, etypes


def _schedule():
    betas = jnp.concatenate([jnp.zeros(1), jnp.linspace(1e-4, 0.02, NSTEPS)])
    alphas = 1.0 - betas
    alpha_bars = jnp.cumprod(alphas)
    return betas, alpha_bars


def setup_inputs(seed: int = 0):
    key = jax.random.key(seed)
    ks = jax.random.split(key, 40)
    lengths = jnp.arange(B, dtype=jnp.int32)
    H_0 = jax.random.normal(ks[0], (N, LATENT), dtype=jnp.float32)
    X_0 = jax.random.normal(ks[1], (N, 3), dtype=jnp.float32)
    cond_embedding = jax.random.normal(ks[2], (N, HIDDEN), dtype=jnp.float32)
    chain_ids = jax.random.randint(ks[3], (N,), 0, 4)
    generate_mask = jax.random.randint(ks[4], (N,), 0, 2).astype(bool)
    t = jax.random.randint(ks[5], (B,), 0, NSTEPS + 1)

    def w(k, shape):
        return jax.random.normal(k, shape, dtype=jnp.float32) * 0.02

    params = {
        'Win1': w(ks[6], (LATENT + 2 * HIDDEN, HIDDEN)), 'bin1': jnp.zeros(HIDDEN),
        'Win2': w(ks[7], (HIDDEN, HIDDEN)), 'bin2': jnp.zeros(HIDDEN),
        'Win3': w(ks[8], (HIDDEN, HIDDEN)), 'bin3': jnp.zeros(HIDDEN),
        'Wh2i': w(ks[9], (HIDDEN, LATENT)), 'bh2i': jnp.zeros(LATENT),
        'Eemb': w(ks[10], (2, EDGE_EMB)),
        'We_a': w(ks[11], (NLAYERS, 2 * HIDDEN + 1 + EDGE_EMB, HIDDEN)), 'be_a': jnp.zeros((NLAYERS, HIDDEN)),
        'We_b': w(ks[12], (NLAYERS, HIDDEN, HIDDEN)), 'be_b': jnp.zeros((NLAYERS, HIDDEN)),
        'Wx': w(ks[13], (NLAYERS, HIDDEN, 1)), 'bx': jnp.zeros((NLAYERS, 1)),
        'Wn_a': w(ks[14], (NLAYERS, 2 * HIDDEN, HIDDEN)), 'bn_a': jnp.zeros((NLAYERS, HIDDEN)),
        'Wn_b': w(ks[15], (NLAYERS, HIDDEN, HIDDEN)), 'bn_b': jnp.zeros((NLAYERS, HIDDEN)),
    }
    inp = {'H_0': H_0, 'X_0': X_0, 'cond_embedding': cond_embedding,
           'chain_ids': chain_ids, 'generate_mask': generate_mask,
           'lengths': lengths, 't': t}
    inp.update(params)
    return inp


def reference(H_0, X_0, cond_embedding, chain_ids, generate_mask, lengths, t,
              Win1, bin1, Win2, bin2, Win3, bin3, Wh2i, bh2i, Eemb,
              We_a, be_a, We_b, be_b, Wx, bx, Wn_a, bn_a, Wn_b, bn_b):
    n = H_0.shape[0]
    nb = lengths.shape[0]
    batch_ids = jnp.repeat(jnp.arange(nb), lengths, total_repeat_length=n)
    betas, abars = _schedule()
    ab = abars[t][batch_ids][:, None]
    kx, kh = jax.random.split(jax.random.key(42))
    eps_X = jax.random.normal(kx, X_0.shape, dtype=jnp.float32)
    eps_H = jax.random.normal(kh, H_0.shape, dtype=jnp.float32)
    m1 = generate_mask[:, None]
    X_noisy = jnp.where(m1, jnp.sqrt(ab) * X_0 + jnp.sqrt(1.0 - ab) * eps_X, X_0)
    H_noisy = jnp.where(m1, jnp.sqrt(ab) * H_0 + jnp.sqrt(1.0 - ab) * eps_H, H_0)
    row, col, etypes = _build_edges(lengths, chain_ids)
    beta = betas[t][batch_ids]
    t_embed = _sinusoidal(beta, HIDDEN)
    feat = jnp.concatenate([H_noisy, cond_embedding, t_embed], axis=-1)
    h = jax.nn.relu(feat @ Win1 + bin1)
    h = jax.nn.relu(h @ Win2 + bin2)
    h = h @ Win3 + bin3
    e_embed = Eemb[etypes]
    X = X_noisy
    deg = jax.ops.segment_sum(jnp.ones(row.shape[0], dtype=jnp.float32), row, n)
    for l in range(NLAYERS):
        hi = h[row]
        hj = h[col]
        diff = X[row] - X[col]
        dist2 = jnp.sum(diff * diff, axis=-1, keepdims=True)
        m = jax.nn.relu(jnp.concatenate([hi, hj, dist2, e_embed], axis=-1) @ We_a[l] + be_a[l])
        m = jax.nn.relu(m @ We_b[l] + be_b[l])
        xw = jnp.tanh(m @ Wx[l] + bx[l])
        X = X + jax.ops.segment_sum(diff * xw, row, n) / (deg[:, None] + 1.0)
        agg = jax.ops.segment_sum(m, row, n) / (deg[:, None] + 1.0)
        h = h + jax.nn.relu(jnp.concatenate([h, agg], axis=-1) @ Wn_a[l] + bn_a[l]) @ Wn_b[l] + bn_b[l]
    eps_X_pred = jnp.where(m1, X - X_noisy, 0.0)
    nH = h @ Wh2i + bh2i
    eps_H_pred = jnp.where(m1, nH - H_noisy, 0.0)
    mf = generate_mask.astype(jnp.float32)
    denom = mf.sum() + 1e-8
    loss_X = jnp.sum(jnp.sum((eps_X_pred - eps_X) ** 2, axis=-1) * mf) / denom
    loss_H = jnp.sum(jnp.sum((eps_H_pred - eps_H) ** 2, axis=-1) * mf) / denom
    return jnp.stack([loss_X, loss_H])

if __name__ == "__main__":
    import jax
    _d = setup_inputs()
    print(jax.jit(kernel)(*tuple(_d.values())))

</pallas_src>

<mosaic_0001>
module attributes {stable_mosaic.version = 14 : i64} {
  func.func @_body(%arg0: i32, %arg1: memref<64xf32, #tpu.memory_space<smem>>, %arg2: memref<64xf32, #tpu.memory_space<smem>>, %arg3: memref<3xf32, #tpu.memory_space<smem>>, %arg4: memref<2016x16xf32, #tpu.memory_space<vmem>>, %arg5: memref<2016x8xf32, #tpu.memory_space<vmem>>, %arg6: memref<2016x128xf32, #tpu.memory_space<vmem>>, %arg7: memref<2016x8xf32, #tpu.memory_space<vmem>>, %arg8: memref<2016x16xf32, #tpu.memory_space<vmem>>, %arg9: memref<1x1x64xi32, #tpu.memory_space<vmem>>, %arg10: memref<1x1x64xf32, #tpu.memory_space<vmem>>, %arg11: memref<1x64xf32, #tpu.memory_space<vmem>>, %arg12: memref<272x128xf32, #tpu.memory_space<vmem>>, %arg13: memref<1x128xf32, #tpu.memory_space<vmem>>, %arg14: memref<128x128xf32, #tpu.memory_space<vmem>>, %arg15: memref<1x128xf32, #tpu.memory_space<vmem>>, %arg16: memref<128x128xf32, #tpu.memory_space<vmem>>, %arg17: memref<1x128xf32, #tpu.memory_space<vmem>>, %arg18: memref<3x128x128xf32, #tpu.memory_space<vmem>>, %arg19: memref<3x128x128xf32, #tpu.memory_space<vmem>>, %arg20: memref<3x1x128xbf16, #tpu.memory_space<vmem>>, %arg21: memref<3x1x128xbf16, #tpu.memory_space<vmem>>, %arg22: memref<3x1x128xf32, #tpu.memory_space<vmem>>, %arg23: memref<3x128x128xbf16, #tpu.memory_space<vmem>>, %arg24: memref<3x1x128xf32, #tpu.memory_space<vmem>>, %arg25: memref<3x128x1xbf16, #tpu.memory_space<vmem>>, %arg26: memref<3x256x128xf32, #tpu.memory_space<vmem>>, %arg27: memref<3x1x128xf32, #tpu.memory_space<vmem>>, %arg28: memref<3x128x128xf32, #tpu.memory_space<vmem>>, %arg29: memref<3x1x128xf32, #tpu.memory_space<vmem>>, %arg30: memref<128x16xf32, #tpu.memory_space<vmem>>, %arg31: memref<1x16xf32, #tpu.memory_space<vmem>>, %arg32: memref<1x1x128xf32, #tpu.memory_space<vmem>>, %arg33: memref<64x64xf32, #tpu.memory_space<vmem>>) attributes {dimension_semantics = [#tpu.dimension_semantics<parallel>], iteration_bounds = array<i64: 32>, scalar_prefetch = 0 : i64, scratch_operands = 1 : i64, tpu.core_type = #tpu.core_type<tc>, window_params = [{transform_indices = @transform_0, window_bounds = array<i64: 64>}, {transform_indices = @transform_1, window_bounds = array<i64: 64>}, {transform_indices = @transform_2, window_bounds = array<i64: 3>}, {pipeline_mode = #tpu.pipeline_mode<synchronous>, transform_indices = @transform_3, window_bounds = array<i64: 2016, 16>}, {pipeline_mode = #tpu.pipeline_mode<synchronous>, transform_indices = @transform_4, window_bounds = array<i64: 2016, 8>}, {pipeline_mode = #tpu.pipeline_mode<synchronous>, transform_indices = @transform_5, window_bounds = array<i64: 2016, 128>}, {pipeline_mode = #tpu.pipeline_mode<synchronous>, transform_indices = @transform_6, window_bounds = array<i64: 2016, 8>}, {pipeline_mode = #tpu.pipeline_mode<synchronous>, transform_indices = @transform_7, window_bounds = array<i64: 2016, 16>}, {transform_indices = @transform_8, window_bounds = array<i64: 1, 1, 64>}, {transform_indices = @transform_9, window_bounds = array<i64: 1, 1, 64>}, {pipeline_mode = #tpu.pipeline_mode<synchronous>, transform_indices = @transform_10, window_bounds = array<i64: 1, 64>}, {pipeline_mode = #tpu.pipeline_mode<synchronous>, transform_indices = @transform_11, window_bounds = array<i64: 272, 128>}, {pipeline_mode = #tpu.pipeline_mode<synchronous>, transform_indices = @transform_12, window_bounds = array<i64: 1, 128>}, {pipeline_mode = #tpu.pipeline_mode<synchronous>, transform_indices = @transform_13, window_bounds = array<i64: 128, 128>}, {pipeline_mode = #tpu.pipeline_mode<synchronous>, transform_indices = @transform_14, window_bounds = array<i64: 1, 128>}, {pipeline_mode = #tpu.pipeline_mode<synchronous>, transform_indices = @transform_15, window_bounds = array<i64: 128, 128>}, {pipeline_mode = #tpu.pipeline_mode<synchronous>, transform_indices = @transform_16, window_bounds = array<i64: 1, 128>}, {pipeline_mode = #tpu.pipeline_mode<synchronous>, transform_indices = @transform_17, window_bounds = array<i64: 3, 128, 128>}, {pipeline_mode = #tpu.pipeline_mode<synchronous>, transform_indices = @transform_18, window_bounds = array<i64: 3, 128, 128>}, {pipeline_mode = #tpu.pipeline_mode<synchronous>, transform_indices = @transform_19, window_bounds = array<i64: 3, 1, 128>}, {pipeline_mode = #tpu.pipeline_mode<synchronous>, transform_indices = @transform_20, window_bounds = array<i64: 3, 1, 128>}, {pipeline_mode = #tpu.pipeline_mode<synchronous>, transform_indices = @transform_21, window_bounds = array<i64: 3, 1, 128>}, {pipeline_mode = #tpu.pipeline_mode<synchronous>, transform_indices = @transform_22, window_bounds = array<i64: 3, 128, 128>}, {pipeline_mode = #tpu.pipeline_mode<synchronous>, transform_indices = @transform_23, window_bounds = array<i64: 3, 1, 128>}, {pipeline_mode = #tpu.pipeline_mode<synchronous>, transform_indices = @transform_24, window_bounds = array<i64: 3, 128, 1>}, {pipeline_mode = #tpu.pipeline_mode<synchronous>, transform_indices = @transform_25, window_bounds = array<i64: 3, 256, 128>}, {pipeline_mode = #tpu.pipeline_mode<synchronous>, transform_indices = @transform_26, window_bounds = array<i64: 3, 1, 128>}, {pipeline_mode = #tpu.pipeline_mode<synchronous>, transform_indices = @transform_27, window_bounds = array<i64: 3, 128, 128>}, {pipeline_mode = #tpu.pipeline_mode<synchronous>, transform_indices = @transform_28, window_bounds = array<i64: 3, 1, 128>}, {pipeline_mode = #tpu.pipeline_mode<synchronous>, transform_indices = @transform_29, window_bounds = array<i64: 128, 16>}, {pipeline_mode = #tpu.pipeline_mode<synchronous>, transform_indices = @transform_30, window_bounds = array<i64: 1, 16>}, {transform_indices = @transform_31, window_bounds = array<i64: 1, 1, 128>}]} {
    %iota3A = tpu.iota {dimensions = array<i32: 0>} : vector<64x1xi32>
    %lt3A = vector.broadcast %arg0 : i32 to vector<64x1xi32>
    %lt3A_0 = arith.cmpi slt, %iota3A, %lt3A : vector<64x1xi32>
    %convert_element_type3A = arith.extui %lt3A_0 : vector<64x1xi1> to vector<64x1xi32>
    %convert_element_type3A_1 = arith.sitofp %convert_element_type3A : vector<64x1xi32> to vector<64x1xf32>
    %get3A = arith.index_cast %arg0 : i32 to index
    %get3A_2 = memref.load %arg1[%get3A] : memref<64xf32, #tpu.memory_space<smem>>
    %sub3A = arith.constant 63 : i32
    %sub3A_3 = arith.subi %sub3A, %arg0 : i32
    %get3A_4 = arith.index_cast %sub3A_3 : i32 to index
    %get3A_5 = memref.load %arg1[%get3A_4] : memref<64xf32, #tpu.memory_space<smem>>
    %mul3A = vector.broadcast %get3A_2 : f32 to vector<64x1xf32>
    %mul3A_6 = arith.mulf %convert_element_type3A_1, %mul3A : vector<64x1xf32>
    %sub3A_7 = arith.constant 1.000000e+00 : f32
    %sub3A_8 = vector.broadcast %sub3A_7 : f32 to vector<64x1xf32>
    %sub3A_9 = arith.subf %sub3A_8, %convert_element_type3A_1 : vector<64x1xf32>
    %mul3A_10 = vector.broadcast %get3A_5 : f32 to vector<64x1xf32>
    %mul3A_11 = arith.mulf %sub3A_9, %mul3A_10 : vector<64x1xf32>
    %add3A = arith.addf %mul3A_6, %mul3A_11 : vector<64x1xf32>
    %sqrt3A = math.sqrt %add3A : vector<64x1xf32>
    %sub3A_12 = arith.constant 1.000000e+00 : f32
    %sub3A_13 = vector.broadcast %sub3A_12 : f32 to vector<64x1xf32>
    %sub3A_14 = arith.subf %sub3A_13, %add3A : vector<64x1xf32>
    %sqrt3A_15 = math.sqrt %sub3A_14 : vector<64x1xf32>
    %get3A_16 = arith.constant 0 : index
    %get3A_17 = arith.constant 0 : index
    %get3A_18 = arith.constant 0 : index
    %get3A_19 = vector.load %arg10[%get3A_16, %get3A_17, %get3A_18] : memref<1x1x64xf32, #tpu.memory_space<vmem>>, vector<1x1x64xf32>
    %get3A_20 = vector.shape_cast %get3A_19 : vector<1x1x64xf32> to vector<64xf32>
    %reshape3A = vector.shape_cast %get3A_20 : vector<64xf32> to vector<64x1xf32>
    %sub3A_21 = arith.constant 1 : i32
    %sub3A_22 = arith.subi %arg0, %sub3A_21 : i32
    %mul3A_23 = arith.muli %arg0, %sub3A_22 : i32
    %jit3A = arith.constant 2 : i32
    %div3A = arith.divsi %mul3A_23, %jit3A : i32
    %sign3A = arith.constant 0 : i32
    %sign3A_24 = arith.cmpi sgt, %mul3A_23, %sign3A : i32
    %sign3A_25 = arith.extui %sign3A_24 : i1 to i32
    %sign3A_26 = arith.constant 0 : i32
    %sign3A_27 = arith.cmpi slt, %mul3A_23, %sign3A_26 : i32
    %sign3A_28 = arith.extui %sign3A_27 : i1 to i32
    %sign3A_29 = arith.subi %sign3A_25, %sign3A_28 : i32
    %sign3A_30 = arith.constant 0 : i32
    %sign3A_31 = arith.cmpi sgt, %jit3A, %sign3A_30 : i32
    %sign3A_32 = arith.extui %sign3A_31 : i1 to i32
    %sign3A_33 = arith.constant 0 : i32
    %sign3A_34 = arith.cmpi slt, %jit3A, %sign3A_33 : i32
    %sign3A_35 = arith.extui %sign3A_34 : i1 to i32
    %sign3A_36 = arith.subi %sign3A_32, %sign3A_35 : i32
    %ne3A = arith.cmpi ne, %sign3A_29, %sign3A_36 : i32
    %rem3A = arith.remsi %mul3A_23, %jit3A : i32
    %ne3A_37 = arith.constant 0 : i32
    %ne3A_38 = arith.cmpi ne, %rem3A, %ne3A_37 : i32
    %and3A = arith.andi %ne3A, %ne3A_38 : i1
    %sub3A_39 = arith.constant 1 : i32
    %sub3A_40 = arith.subi %div3A, %sub3A_39 : i32
    %select_n3A = arith.select %and3A, %sub3A_40, %div3A : i32
    %sub3A_41 = arith.constant 63 : i32
    %sub3A_42 = arith.subi %sub3A_41, %arg0 : i32
    %sub3A_43 = arith.constant 1 : i32
    %sub3A_44 = arith.subi %sub3A_42, %sub3A_43 : i32
    %mul3A_45 = arith.muli %sub3A_42, %sub3A_44 : i32
    %jit3A_46 = arith.constant 2 : i32
    %div3A_47 = arith.divsi %mul3A_45, %jit3A_46 : i32
    %sign3A_48 = arith.constant 0 : i32
    %sign3A_49 = arith.cmpi sgt, %mul3A_45, %sign3A_48 : i32
    %sign3A_50 = arith.extui %sign3A_49 : i1 to i32
    %sign3A_51 = arith.constant 0 : i32
    %sign3A_52 = arith.cmpi slt, %mul3A_45, %sign3A_51 : i32
    %sign3A_53 = arith.extui %sign3A_52 : i1 to i32
    %sign3A_54 = arith.subi %sign3A_50, %sign3A_53 : i32
    %sign3A_55 = arith.constant 0 : i32
    %sign3A_56 = arith.cmpi sgt, %jit3A_46, %sign3A_55 : i32
    %sign3A_57 = arith.extui %sign3A_56 : i1 to i32
    %sign3A_58 = arith.constant 0 : i32
    %sign3A_59 = arith.cmpi slt, %jit3A_46, %sign3A_58 : i32
    %sign3A_60 = arith.extui %sign3A_59 : i1 to i32
    %sign3A_61 = arith.subi %sign3A_57, %sign3A_60 : i32
    %ne3A_62 = arith.cmpi ne, %sign3A_54, %sign3A_61 : i32
    %rem3A_63 = arith.remsi %mul3A_45, %jit3A_46 : i32
    %ne3A_64 = arith.constant 0 : i32
    %ne3A_65 = arith.cmpi ne, %rem3A_63, %ne3A_64 : i32
    %and3A_66 = arith.andi %ne3A_62, %ne3A_65 : i1
    %sub3A_67 = arith.constant 1 : i32
    %sub3A_68 = arith.subi %div3A_47, %sub3A_67 : i32
    %select_n3A_69 = arith.select %and3A_66, %sub3A_68, %div3A_47 : i32
    %add3A_70 = arith.addi %select_n3A_69, %sub3A_42 : i32
    %sub3A_71 = arith.constant 64 : i32
    %sub3A_72 = arith.subi %add3A_70, %sub3A_71 : i32
    %get3A_73 = arith.index_cast %select_n3A : i32 to index
    %get3A_74 = arith.constant 0 : index
    %get3A_75 = vector.load %arg4[%get3A_73, %get3A_74] : memref<2016x16xf32, #tpu.memory_space<vmem>>, vector<64x16xf32>
    %get3A_76 = arith.index_cast %sub3A_72 : i32 to index
    %get3A_77 = arith.constant 0 : index
    %get3A_78 = vector.load %arg4[%get3A_76, %get3A_77] : memref<2016x16xf32, #tpu.memory_space<vmem>>, vector<64x16xf32>
    %slice3A = vector.extract_strided_slice %get3A_78 {offsets = [1, 0], sizes = [63, 16], strides = [1, 1]} : vector<64x16xf32> to vector<63x16xf32>
    %slice3A_79 = vector.extract_strided_slice %get3A_78 {offsets = [0, 0], sizes = [1, 16], strides = [1, 1]} : vector<64x16xf32> to vector<1x16xf32>
    %concatenate3A = tpu.concatenate %slice3A, %slice3A_79 in 0 : vector<63x16xf32>, vector<1x16xf32> -> vector<64x16xf32>
    %broadcast_in_dim3A = vector.shape_cast %lt3A_0 : vector<64x1xi1> to vector<64x1xi1>
    %broadcast_in_dim3A_80 = vector.broadcast %broadcast_in_dim3A : vector<64x1xi1> to vector<64x16xi1>
    %select_n3A_81 = arith.select %broadcast_in_dim3A_80, %get3A_75, %concatenate3A : vector<64x16xi1>, vector<64x16xf32>
    %get3A_82 = arith.index_cast %select_n3A : i32 to index
    %get3A_83 = arith.constant 0 : index
    %get3A_84 = vector.load %arg5[%get3A_82, %get3A_83] : memref<2016x8xf32, #tpu.memory_space<vmem>>, vector<64x8xf32>
    %get3A_85 = arith.index_cast %sub3A_72 : i32 to index
    %get3A_86 = arith.constant 0 : index
    %get3A_87 = vector.load %arg5[%get3A_85, %get3A_86] : memref<2016x8xf32, #tpu.memory_space<vmem>>, vector<64x8xf32>
    %slice3A_88 = vector.extract_strided_slice %get3A_87 {offsets = [1, 0], sizes = [63, 8], strides = [1, 1]} : vector<64x8xf32> to vector<63x8xf32>
    %slice3A_89 = vector.extract_strided_slice %get3A_87 {offsets = [0, 0], sizes = [1, 8], strides = [1, 1]} : vector<64x8xf32> to vector<1x8xf32>
    %concatenate3A_90 = tpu.concatenate %slice3A_88, %slice3A_89 in 0 : vector<63x8xf32>, vector<1x8xf32> -> vector<64x8xf32>
    %broadcast_in_dim3A_91 = vector.shape_cast %lt3A_0 : vector<64x1xi1> to vector<64x1xi1>
    %broadcast_in_dim3A_92 = vector.broadcast %broadcast_in_dim3A_91 : vector<64x1xi1> to vector<64x8xi1>
    %select_n3A_93 = arith.select %broadcast_in_dim3A_92, %get3A_84, %concatenate3A_90 : vector<64x8xi1>, vector<64x8xf32>
    %get3A_94 = arith.index_cast %select_n3A : i32 to index
    %get3A_95 = arith.constant 0 : index
    %get3A_96 = vector.load %arg6[%get3A_94, %get3A_95] : memref<2016x128xf32, #tpu.memory_space<vmem>>, vector<64x128xf32>
    %get3A_97 = arith.index_cast %sub3A_72 : i32 to index
    %get3A_98 = arith.constant 0 : index
    %get3A_99 = vector.load %arg6[%get3A_97, %get3A_98] : memref<2016x128xf32, #tpu.memory_space<vmem>>, vector<64x128xf32>
    %slice3A_100 = vector.extract_strided_slice %get3A_99 {offsets = [1, 0], sizes = [63, 128], strides = [1, 1]} : vector<64x128xf32> to vector<63x128xf32>
    %slice3A_101 = vector.extract_strided_slice %get3A_99 {offsets = [0, 0], sizes = [1, 128], strides = [1, 1]} : vector<64x128xf32> to vector<1x128xf32>
    %concatenate3A_102 = tpu.concatenate %slice3A_100, %slice3A_101 in 0 : vector<63x128xf32>, vector<1x128xf32> -> vector<64x128xf32>
    %broadcast_in_dim3A_103 = vector.shape_cast %lt3A_0 : vector<64x1xi1> to vector<64x1xi1>
    %broadcast_in_dim3A_104 = vector.broadcast %broadcast_in_dim3A_103 : vector<64x1xi1> to vector<64x128xi1>
    %select_n3A_105 = arith.select %broadcast_in_dim3A_104, %get3A_96, %concatenate3A_102 : vector<64x128xi1>, vector<64x128xf32>
    %get3A_106 = arith.index_cast %select_n3A : i32 to index
    %get3A_107 = arith.constant 0 : index
    %get3A_108 = vector.load %arg7[%get3A_106, %get3A_107] : memref<2016x8xf32, #tpu.memory_space<vmem>>, vector<64x8xf32>
    %get3A_109 = arith.index_cast %sub3A_72 : i32 to index
    %get3A_110 = arith.constant 0 : index
    %get3A_111 = vector.load %arg7[%get3A_109, %get3A_110] : memref<2016x8xf32, #tpu.memory_space<vmem>>, vector<64x8xf32>
    %slice3A_112 = vector.extract_strided_slice %get3A_111 {offsets = [1, 0], sizes = [63, 8], strides = [1, 1]} : vector<64x8xf32> to vector<63x8xf32>
    %slice3A_113 = vector.extract_strided_slice %get3A_111 {offsets = [0, 0], sizes = [1, 8], strides = [1, 1]} : vector<64x8xf32> to vector<1x8xf32>
    %concatenate3A_114 = tpu.concatenate %slice3A_112, %slice3A_113 in 0 : vector<63x8xf32>, vector<1x8xf32> -> vector<64x8xf32>
    %broadcast_in_dim3A_115 = vector.shape_cast %lt3A_0 : vector<64x1xi1> to vector<64x1xi1>
    %broadcast_in_dim3A_116 = vector.broadcast %broadcast_in_dim3A_115 : vector<64x1xi1> to vector<64x8xi1>
    %select_n3A_117 = arith.select %broadcast_in_dim3A_116, %get3A_108, %concatenate3A_114 : vector<64x8xi1>, vector<64x8xf32>
    %get3A_118 = arith.index_cast %select_n3A : i32 to index
    %get3A_119 = arith.constant 0 : index
    %get3A_120 = vector.load %arg8[%get3A_118, %get3A_119] : memref<2016x16xf32, #tpu.memory_space<vmem>>, vector<64x16xf32>
    %get3A_121 = arith.index_cast %sub3A_72 : i32 to index
    %get3A_122 = arith.constant 0 : index
    %get3A_123 = vector.load %arg8[%get3A_121, %get3A_122] : memref<2016x16xf32, #tpu.memory_space<vmem>>, vector<64x16xf32>
    %slice3A_124 = vector.extract_strided_slice %get3A_123 {offsets = [1, 0], sizes = [63, 16], strides = [1, 1]} : vector<64x16xf32> to vector<63x16xf32>
    %slice3A_125 = vector.extract_strided_slice %get3A_123 {offsets = [0, 0], sizes = [1, 16], strides = [1, 1]} : vector<64x16xf32> to vector<1x16xf32>
    %concatenate3A_126 = tpu.concatenate %slice3A_124, %slice3A_125 in 0 : vector<63x16xf32>, vector<1x16xf32> -> vector<64x16xf32>
    %broadcast_in_dim3A_127 = vector.shape_cast %lt3A_0 : vector<64x1xi1> to vector<64x1xi1>
    %broadcast_in_dim3A_128 = vector.broadcast %broadcast_in_dim3A_127 : vector<64x1xi1> to vector<64x16xi1>
    %select_n3A_129 = arith.select %broadcast_in_dim3A_128, %get3A_120, %concatenate3A_126 : vector<64x16xi1>, vector<64x16xf32>
    %mul3A_130 = vector.broadcast %sqrt3A : vector<64x1xf32> to vector<64x8xf32>
    %mul3A_131 = arith.mulf %mul3A_130, %select_n3A_93 : vector<64x8xf32>
    %mul3A_132 = vector.broadcast %sqrt3A_15 : vector<64x1xf32> to vector<64x8xf32>
    %mul3A_133 = arith.mulf %mul3A_132, %select_n3A_117 : vector<64x8xf32>
    %add3A_134 = arith.addf %mul3A_131, %mul3A_133 : vector<64x8xf32>
    %mul3A_135 = vector.broadcast %reshape3A : vector<64x1xf32> to vector<64x8xf32>
    %mul3A_136 = arith.mulf %mul3A_135, %add3A_134 : vector<64x8xf32>
    %sub3A_137 = arith.constant 1.000000e+00 : f32
    %sub3A_138 = vector.broadcast %sub3A_137 : f32 to vector<64x1xf32>
    %sub3A_139 = arith.subf %sub3A_138, %reshape3A : vector<64x1xf32>
    %mul3A_140 = vector.broadcast %sub3A_139 : vector<64x1xf32> to vector<64x8xf32>
    %mul3A_141 = arith.mulf %mul3A_140, %select_n3A_93 : vector<64x8xf32>
    %add3A_142 = arith.addf %mul3A_136, %mul3A_141 : vector<64x8xf32>
    %mul3A_143 = vector.broadcast %sqrt3A : vector<64x1xf32> to vector<64x16xf32>
    %mul3A_144 = arith.mulf %mul3A_143, %select_n3A_81 : vector<64x16xf32>
    %mul3A_145 = vector.broadcast %sqrt3A_15 : vector<64x1xf32> to vector<64x16xf32>
    %mul3A_146 = arith.mulf %mul3A_145, %select_n3A_129 : vector<64x16xf32>
    %add3A_147 = arith.addf %mul3A_144, %mul3A_146 : vector<64x16xf32>
    %mul3A_148 = vector.broadcast %reshape3A : vector<64x1xf32> to vector<64x16xf32>
    %mul3A_149 = arith.mulf %mul3A_148, %add3A_147 : vector<64x16xf32>
    %sub3A_150 = arith.constant 1.000000e+00 : f32
    %sub3A_151 = vector.broadcast %sub3A_150 : f32 to vector<64x1xf32>
    %sub3A_152 = arith.subf %sub3A_151, %reshape3A : vector<64x1xf32>
    %mul3A_153 = vector.broadcast %sub3A_152 : vector<64x1xf32> to vector<64x16xf32>
    %mul3A_154 = arith.mulf %mul3A_153, %select_n3A_81 : vector<64x16xf32>
    %add3A_155 = arith.addf %mul3A_149, %mul3A_154 : vector<64x16xf32>
    %get3A_156 = arith.constant 0 : index
    %get3A_157 = arith.constant 0 : index
    %get3A_158 = vector.load %arg11[%get3A_156, %get3A_157] : memref<1x64xf32, #tpu.memory_space<vmem>>, vector<1x64xf32>
    %get3A_159 = arith.index_cast %arg0 : i32 to index
    %get3A_160 = memref.load %arg2[%get3A_159] : memref<64xf32, #tpu.memory_space<smem>>
    %mul3A_161 = vector.broadcast %get3A_160 : f32 to vector<1x64xf32>
    %mul3A_162 = arith.mulf %mul3A_161, %get3A_158 : vector<1x64xf32>
    %sub3A_163 = arith.constant 63 : i32
    %sub3A_164 = arith.subi %sub3A_163, %arg0 : i32
    %get3A_165 = arith.index_cast %sub3A_164 : i32 to index
    %get3A_166 = memref.load %arg2[%get3A_165] : memref<64xf32, #tpu.memory_space<smem>>
    %mul3A_167 = vector.broadcast %get3A_166 : f32 to vector<1x64xf32>
    %mul3A_168 = arith.mulf %mul3A_167, %get3A_158 : vector<1x64xf32>
    %sin3A = math.sin %mul3A_162 : vector<1x64xf32>
    %cos3A = math.cos %mul3A_162 : vector<1x64xf32>
    %concatenate3A_169 = tpu.concatenate %sin3A, %cos3A in 1 : vector<1x64xf32>, vector<1x64xf32> -> vector<1x128xf32>
    %sin3A_170 = math.sin %mul3A_168 : vector<1x64xf32>
    %cos3A_171 = math.cos %mul3A_168 : vector<1x64xf32>
    %concatenate3A_172 = tpu.concatenate %sin3A_170, %cos3A_171 in 1 : vector<1x64xf32>, vector<1x64xf32> -> vector<1x128xf32>
    %mul3A_173 = vector.broadcast %convert_element_type3A_1 : vector<64x1xf32> to vector<64x128xf32>
    %mul3A_174 = vector.broadcast %concatenate3A_169 : vector<1x128xf32> to vector<64x128xf32>
    %mul3A_175 = arith.mulf %mul3A_173, %mul3A_174 : vector<64x128xf32>
    %sub3A_176 = arith.constant 1.000000e+00 : f32
    %sub3A_177 = vector.broadcast %sub3A_176 : f32 to vector<64x1xf32>
    %sub3A_178 = arith.subf %sub3A_177, %convert_element_type3A_1 : vector<64x1xf32>
    %mul3A_179 = vector.broadcast %sub3A_178 : vector<64x1xf32> to vector<64x128xf32>
    %mul3A_180 = vector.broadcast %concatenate3A_172 : vector<1x128xf32> to vector<64x128xf32>
    %mul3A_181 = arith.mulf %mul3A_179, %mul3A_180 : vector<64x128xf32>
    %add3A_182 = arith.addf %mul3A_175, %mul3A_181 : vector<64x128xf32>
    %concatenate3A_183 = tpu.concatenate %add3A_155, %select_n3A_105, %add3A_182 in 1 : vector<64x16xf32>, vector<64x128xf32>, vector<64x128xf32> -> vector<64x272xf32>
    %get3A_184 = arith.constant 0 : index
    %get3A_185 = arith.constant 0 : index
    %get3A_186 = vector.load %arg12[%get3A_184, %get3A_185] : memref<272x128xf32, #tpu.memory_space<vmem>>, vector<272x128xf32>
    %dot_general3A = arith.constant dense<0.000000e+00> : vector<64x128xf32>
    %dot_general3A_187 = tpu.matmul %concatenate3A_183, %get3A_186, %dot_general3A {dimension_numbers = #tpu.dot_dimension_numbers<[1], [0], [0], [1], [0, 0, 1, 1], [], []>, transpose_lhs_hint = false} : vector<64x272xf32>, vector<272x128xf32>, vector<64x128xf32> -> vector<64x128xf32>
    %get3A_188 = arith.constant 0 : index
    %get3A_189 = arith.constant 0 : index
    %get3A_190 = vector.load %arg13[%get3A_188, %get3A_189] : memref<1x128xf32, #tpu.memory_space<vmem>>, vector<1x128xf32>
    %add3A_191 = vector.broadcast %get3A_190 : vector<1x128xf32> to vector<64x128xf32>
    %add3A_192 = arith.addf %dot_general3A_187, %add3A_191 : vector<64x128xf32>
    %max3A = arith.constant 0.000000e+00 : f32
    %max3A_193 = vector.broadcast %max3A : f32 to vector<64x128xf32>
    %max3A_194 = arith.maximumf %add3A_192, %max3A_193 : vector<64x128xf32>
    %get3A_195 = arith.constant 0 : index
    %get3A_196 = arith.constant 0 : index
    %get3A_197 = vector.load %arg14[%get3A_195, %get3A_196] : memref<128x128xf32, #tpu.memory_space<vmem>>, vector<128x128xf32>
    %dot_general3A_198 = arith.constant dense<0.000000e+00> : vector<64x128xf32>
    %dot_general3A_199 = tpu.matmul %max3A_194, %get3A_197, %dot_general3A_198 {dimension_numbers = #tpu.dot_dimension_numbers<[1], [0], [0], [1], [0, 0, 1, 1], [], []>, transpose_lhs_hint = false} : vector<64x128xf32>, vector<128x128xf32>, vector<64x128xf32> -> vector<64x128xf32>
    %get3A_200 = arith.constant 0 : index
    %get3A_201 = arith.constant 0 : index
    %get3A_202 = vector.load %arg15[%get3A_200, %get3A_201] : memref<1x128xf32, #tpu.memory_space<vmem>>, vector<1x128xf32>
    %add3A_203 = vector.broadcast %get3A_202 : vector<1x128xf32> to vector<64x128xf32>
    %add3A_204 = arith.addf %dot_general3A_199, %add3A_203 : vector<64x128xf32>
    %max3A_205 = arith.constant 0.000000e+00 : f32
    %max3A_206 = vector.broadcast %max3A_205 : f32 to vector<64x128xf32>
    %max3A_207 = arith.maximumf %add3A_204, %max3A_206 : vector<64x128xf32>
    %get3A_208 = arith.constant 0 : index
    %get3A_209 = arith.constant 0 : index
    %get3A_210 = vector.load %arg16[%get3A_208, %get3A_209] : memref<128x128xf32, #tpu.memory_space<vmem>>, vector<128x128xf32>
    %dot_general3A_211 = arith.constant dense<0.000000e+00> : vector<64x128xf32>
    %dot_general3A_212 = tpu.matmul %max3A_207, %get3A_210, %dot_general3A_211 {dimension_numbers = #tpu.dot_dimension_numbers<[1], [0], [0], [1], [0, 0, 1, 1], [], []>, transpose_lhs_hint = false} : vector<64x128xf32>, vector<128x128xf32>, vector<64x128xf32> -> vector<64x128xf32>
    %get3A_213 = arith.constant 0 : index
    %get3A_214 = arith.constant 0 : index
    %get3A_215 = vector.load %arg17[%get3A_213, %get3A_214] : memref<1x128xf32, #tpu.memory_space<vmem>>, vector<1x128xf32>
    %add3A_216 = vector.broadcast %get3A_215 : vector<1x128xf32> to vector<64x128xf32>
    %add3A_217 = arith.addf %dot_general3A_212, %add3A_216 : vector<64x128xf32>
    %get3A_218 = arith.constant 0 : index
    %get3A_219 = arith.constant 0 : index
    %get3A_220 = arith.constant 0 : index
    %get3A_221 = vector.load %arg9[%get3A_218, %get3A_219, %get3A_220] : memref<1x1x64xi32, #tpu.memory_space<vmem>>, vector<1x1x64xi32>
    %get3A_222 = vector.shape_cast %get3A_221 : vector<1x1x64xi32> to vector<1x64xi32>
    %reshape3A_223 = vector.shape_cast %get3A_222 : vector<1x64xi32> to vector<64x1xi32>
    %eq3A = vector.broadcast %reshape3A_223 : vector<64x1xi32> to vector<64x64xi32>
    %eq3A_224 = vector.broadcast %get3A_222 : vector<1x64xi32> to vector<64x64xi32>
    %eq3A_225 = arith.cmpi eq, %eq3A, %eq3A_224 : vector<64x64xi32>
    %convert_element_type3A_226 = arith.extui %eq3A_225 : vector<64x64xi1> to vector<64x64xi32>
    %convert_element_type3A_227 = arith.sitofp %convert_element_type3A_226 : vector<64x64xi32> to vector<64x64xf32>
    %iota3A_228 = tpu.iota {dimensions = array<i32: 1>} : vector<1x64xi32>
    %lt3A_229 = arith.constant 63 : i32
    %lt3A_230 = vector.broadcast %lt3A_229 : i32 to vector<1x64xi32>
    %lt3A_231 = arith.cmpi slt, %iota3A_228, %lt3A_230 : vector<1x64xi32>
    %convert_element_type3A_232 = arith.extui %lt3A_231 : vector<1x64xi1> to vector<1x64xi32>
    %convert_element_type3A_233 = arith.sitofp %convert_element_type3A_232 : vector<1x64xi32> to vector<1x64xf32>
    %reshape3A_234 = vector.shape_cast %convert_element_type3A_1 : vector<64x1xf32> to vector<1x64xf32>
    %mul3A_235 = vector.broadcast %convert_element_type3A_1 : vector<64x1xf32> to vector<64x64xf32>
    %mul3A_236 = vector.broadcast %reshape3A_234 : vector<1x64xf32> to vector<64x64xf32>
    %mul3A_237 = arith.mulf %mul3A_235, %mul3A_236 : vector<64x64xf32>
    %sub3A_238 = arith.constant 1.000000e+00 : f32
    %sub3A_239 = vector.broadcast %sub3A_238 : f32 to vector<64x1xf32>
    %sub3A_240 = arith.subf %sub3A_239, %convert_element_type3A_1 : vector<64x1xf32>
    %sub3A_241 = arith.constant 1.000000e+00 : f32
    %sub3A_242 = vector.broadcast %sub3A_241 : f32 to vector<1x64xf32>
    %sub3A_243 = arith.subf %sub3A_242, %reshape3A_234 : vector<1x64xf32>
    %mul3A_244 = vector.broadcast %sub3A_240 : vector<64x1xf32> to vector<64x64xf32>
    %mul3A_245 = vector.broadcast %sub3A_243 : vector<1x64xf32> to vector<64x64xf32>
    %mul3A_246 = arith.mulf %mul3A_244, %mul3A_245 : vector<64x64xf32>
    %add3A_247 = arith.addf %mul3A_237, %mul3A_246 : vector<64x64xf32>
    %mul3A_248 = vector.broadcast %convert_element_type3A_233 : vector<1x64xf32> to vector<64x64xf32>
    %mul3A_249 = arith.mulf %add3A_247, %mul3A_248 : vector<64x64xf32>
    %convert_element_type3A_250 = arith.sitofp %arg0 : i32 to f32
    %add3A_251 = arith.constant 1.000000e+00 : f32
    %add3A_252 = arith.addf %convert_element_type3A_250, %add3A_251 : f32
    %div3A_253 = vector.broadcast %add3A_252 : f32 to vector<64x1xf32>
    %div3A_254 = arith.divf %convert_element_type3A_1, %div3A_253 : vector<64x1xf32>
    %sub3A_255 = arith.constant 1.000000e+00 : f32
    %sub3A_256 = vector.broadcast %sub3A_255 : f32 to vector<64x1xf32>
    %sub3A_257 = arith.subf %sub3A_256, %convert_element_type3A_1 : vector<64x1xf32>
    %sub3A_258 = arith.constant 6.400000e+01 : f32
    %sub3A_259 = arith.subf %sub3A_258, %convert_element_type3A_250 : f32
    %div3A_260 = vector.broadcast %sub3A_259 : f32 to vector<64x1xf32>
    %div3A_261 = arith.divf %sub3A_257, %div3A_260 : vector<64x1xf32>
    %add3A_262 = arith.addf %div3A_254, %div3A_261 : vector<64x1xf32>
    %convert_element_type3A_263 = arith.truncf %mul3A_249 : vector<64x64xf32> to vector<64x64xbf16>
    %get3A_264 = arith.constant 0 : index
    %get3A_265 = arith.constant 0 : index
    %get3A_266 = arith.constant 0 : index
    %get3A_267 = vector.load %arg18[%get3A_264, %get3A_265, %get3A_266] : memref<3x128x128xf32, #tpu.memory_space<vmem>>, vector<1x128x128xf32>
    %get3A_268 = vector.shape_cast %get3A_267 : vector<1x128x128xf32> to vector<128x128xf32>
    %dot_general3A_269 = arith.constant dense<0.000000e+00> : vector<64x128xf32>
    %dot_general3A_270 = tpu.matmul %add3A_217, %get3A_268, %dot_general3A_269 {dimension_numbers = #tpu.dot_dimension_numbers<[1], [0], [0], [1], [0, 0, 1, 1], [], []>, transpose_lhs_hint = false} : vector<64x128xf32>, vector<128x128xf32>, vector<64x128xf32> -> vector<64x128xf32>
    %get3A_271 = arith.constant 0 : index
    %get3A_272 = arith.constant 0 : index
    %get3A_273 = arith.constant 0 : index
    %get3A_274 = vector.load %arg22[%get3A_271, %get3A_272, %get3A_273] : memref<3x1x128xf32, #tpu.memory_space<vmem>>, vector<1x1x128xf32>
    %get3A_275 = vector.shape_cast %get3A_274 : vector<1x1x128xf32> to vector<1x128xf32>
    %add3A_276 = vector.broadcast %get3A_275 : vector<1x128xf32> to vector<64x128xf32>
    %add3A_277 = arith.addf %dot_general3A_270, %add3A_276 : vector<64x128xf32>
    %get3A_278 = arith.constant 0 : index
    %get3A_279 = arith.constant 0 : index
    %get3A_280 = arith.constant 0 : index
    %get3A_281 = vector.load %arg19[%get3A_278, %get3A_279, %get3A_280] : memref<3x128x128xf32, #tpu.memory_space<vmem>>, vector<1x128x128xf32>
    %get3A_282 = vector.shape_cast %get3A_281 : vector<1x128x128xf32> to vector<128x128xf32>
    %dot_general3A_283 = arith.constant dense<0.000000e+00> : vector<64x128xf32>
    %dot_general3A_284 = tpu.matmul %add3A_217, %get3A_282, %dot_general3A_283 {dimension_numbers = #tpu.dot_dimension_numbers<[1], [0], [0], [1], [0, 0, 1, 1], [], []>, transpose_lhs_hint = false} : vector<64x128xf32>, vector<128x128xf32>, vector<64x128xf32> -> vector<64x128xf32>
    %mul3A_285 = arith.mulf %add3A_142, %add3A_142 : vector<64x8xf32>
    %reduce_sum3A = arith.constant dense<0.000000e+00> : vector<64xf32>
    %reduce_sum3A_286 = vector.multi_reduction <add>, %mul3A_285, %reduce_sum3A [1] : vector<64x8xf32> to vector<64xf32>
    %broadcast_in_dim3A_287 = vector.shape_cast %reduce_sum3A_286 : vector<64xf32> to vector<64x1xf32>
    %transpose3A = tpu.transpose %add3A_142, [1, 0] : vector<64x8xf32> -> vector<8x64xf32>
    %dot_general3A_288 = arith.constant dense<0.000000e+00> : vector<64x64xf32>
    %dot_general3A_289 = tpu.matmul %add3A_142, %transpose3A, %dot_general3A_288 {dimension_numbers = #tpu.dot_dimension_numbers<[1], [0], [0], [1], [0, 0, 1, 1], [], []>, transpose_lhs_hint = false} : vector<64x8xf32>, vector<8x64xf32>, vector<64x64xf32> -> vector<64x64xf32>
    %reshape3A_290 = vector.shape_cast %broadcast_in_dim3A_287 : vector<64x1xf32> to vector<1x64xf32>
    %add3A_291 = vector.broadcast %broadcast_in_dim3A_287 : vector<64x1xf32> to vector<64x64xf32>
    %add3A_292 = vector.broadcast %reshape3A_290 : vector<1x64xf32> to vector<64x64xf32>
    %add3A_293 = arith.addf %add3A_291, %add3A_292 : vector<64x64xf32>
    %mul3A_294 = arith.constant 2.000000e+00 : f32
    %mul3A_295 = vector.broadcast %mul3A_294 : f32 to vector<64x64xf32>
    %mul3A_296 = arith.mulf %mul3A_295, %dot_general3A_289 : vector<64x64xf32>
    %sub3A_297 = arith.subf %add3A_293, %mul3A_296 : vector<64x64xf32>
    %convert_element_type3A_298 = arith.truncf %add3A_277 : vector<64x128xf32> to vector<64x128xbf16>
    %convert_element_type3A_299 = arith.truncf %dot_general3A_284 : vector<64x128xf32> to vector<64x128xbf16>
    %convert_element_type3A_300 = arith.truncf %sub3A_297 : vector<64x64xf32> to vector<64x64xbf16>
    %convert_element_type3A_301 = arith.truncf %convert_element_type3A_227 : vector<64x64xf32> to vector<64x64xbf16>
    %reshape3A_302 = vector.shape_cast %convert_element_type3A_298 : vector<64x128xbf16> to vector<64x1x128xbf16>
    %reshape3A_303 = vector.shape_cast %convert_element_type3A_299 : vector<64x128xbf16> to vector<1x64x128xbf16>
    %add3A_304 = vector.broadcast %reshape3A_302 : vector<64x1x128xbf16> to vector<64x64x128xbf16>
    %add3A_305 = vector.broadcast %reshape3A_303 : vector<1x64x128xbf16> to vector<64x64x128xbf16>
    %add3A_306 = arith.addf %add3A_304, %add3A_305 : vector<64x64x128xbf16>
    %reshape3A_307 = vector.shape_cast %convert_element_type3A_300 : vector<64x64xbf16> to vector<64x64x1xbf16>
    %get3A_308 = arith.constant 0 : index
    %get3A_309 = arith.constant 0 : index
    %get3A_310 = arith.constant 0 : index
    %get3A_311 = vector.load %arg20[%get3A_308, %get3A_309, %get3A_310] : memref<3x1x128xbf16, #tpu.memory_space<vmem>>, vector<1x1x128xbf16>
    %get3A_312 = vector.shape_cast %get3A_311 : vector<1x1x128xbf16> to vector<1x128xbf16>
    %reshape3A_313 = vector.shape_cast %get3A_312 : vector<1x128xbf16> to vector<1x1x128xbf16>
    %mul3A_314 = vector.broadcast %reshape3A_307 : vector<64x64x1xbf16> to vector<64x64x128xbf16>
    %mul3A_315 = vector.broadcast %reshape3A_313 : vector<1x1x128xbf16> to vector<64x64x128xbf16>
    %mul3A_316 = arith.mulf %mul3A_314, %mul3A_315 : vector<64x64x128xbf16>
    %add3A_317 = arith.addf %add3A_306, %mul3A_316 : vector<64x64x128xbf16>
    %reshape3A_318 = vector.shape_cast %convert_element_type3A_301 : vector<64x64xbf16> to vector<64x64x1xbf16>
    %get3A_319 = arith.constant 0 : index
    %get3A_320 = arith.constant 0 : index
    %get3A_321 = arith.constant 0 : index
    %get3A_322 = vector.load %arg21[%get3A_319, %get3A_320, %get3A_321] : memref<3x1x128xbf16, #tpu.memory_space<vmem>>, vector<1x1x128xbf16>
    %get3A_323 = vector.shape_cast %get3A_322 : vector<1x1x128xbf16> to vector<1x128xbf16>
    %reshape3A_324 = vector.shape_cast %get3A_323 : vector<1x128xbf16> to vector<1x1x128xbf16>
    %mul3A_325 = vector.broadcast %reshape3A_318 : vector<64x64x1xbf16> to vector<64x64x128xbf16>
    %mul3A_326 = vector.broadcast %reshape3A_324 : vector<1x1x128xbf16> to vector<64x64x128xbf16>
    %mul3A_327 = arith.mulf %mul3A_325, %mul3A_326 : vector<64x64x128xbf16>
    %add3A_328 = arith.addf %add3A_317, %mul3A_327 : vector<64x64x128xbf16>
    %max3A_329 = arith.constant 0.000000e+00 : bf16
    %max3A_330 = vector.broadcast %max3A_329 : bf16 to vector<64x64x128xbf16>
    %max3A_331 = arith.maximumf %add3A_328, %max3A_330 : vector<64x64x128xbf16>
    %reshape3A_332 = vector.shape_cast %max3A_331 : vector<64x64x128xbf16> to vector<4096x128xbf16>
    %get3A_333 = arith.constant 0 : index
    %get3A_334 = arith.constant 0 : index
    %get3A_335 = arith.constant 0 : index
    %get3A_336 = vector.load %arg23[%get3A_333, %get3A_334, %get3A_335] : memref<3x128x128xbf16, #tpu.memory_space<vmem>>, vector<1x128x128xbf16>
    %get3A_337 = vector.shape_cast %get3A_336 : vector<1x128x128xbf16> to vector<128x128xbf16>
    %dot_general3A_338 = arith.constant dense<0.000000e+00> : vector<4096x128xf32>
    %dot_general3A_339 = tpu.matmul %reshape3A_332, %get3A_337, %dot_general3A_338 {dimension_numbers = #tpu.dot_dimension_numbers<[1], [0], [0], [1], [0, 0, 1, 1], [], []>, transpose_lhs_hint = false} : vector<4096x128xbf16>, vector<128x128xbf16>, vector<4096x128xf32> -> vector<4096x128xf32>
    %get3A_340 = arith.constant 0 : index
    %get3A_341 = arith.constant 0 : index
    %get3A_342 = arith.constant 0 : index
    %get3A_343 = vector.load %arg24[%get3A_340, %get3A_341, %get3A_342] : memref<3x1x128xf32, #tpu.memory_space<vmem>>, vector<1x1x128xf32>
    %get3A_344 = vector.shape_cast %get3A_343 : vector<1x1x128xf32> to vector<1x128xf32>
    %add3A_345 = vector.broadcast %get3A_344 : vector<1x128xf32> to vector<4096x128xf32>
    %add3A_346 = arith.addf %dot_general3A_339, %add3A_345 : vector<4096x128xf32>
    %max3A_347 = arith.constant 0.000000e+00 : f32
    %max3A_348 = vector.broadcast %max3A_347 : f32 to vector<4096x128xf32>
    %max3A_349 = arith.maximumf %add3A_346, %max3A_348 : vector<4096x128xf32>
    %convert_element_type3A_350 = arith.truncf %max3A_349 : vector<4096x128xf32> to vector<4096x128xbf16>
    %get3A_351 = arith.constant 0 : index
    %get3A_352 = arith.constant 0 : index
    %get3A_353 = arith.constant 0 : index
    %get3A_354 = vector.load %arg25[%get3A_351, %get3A_352, %get3A_353] : memref<3x128x1xbf16, #tpu.memory_space<vmem>>, vector<1x128x1xbf16>
    %get3A_355 = vector.shape_cast %get3A_354 : vector<1x128x1xbf16> to vector<128x1xbf16>
    %dot_general3A_356 = arith.constant dense<0.000000e+00> : vector<4096x1xf32>
    %dot_general3A_357 = tpu.matmul %convert_element_type3A_350, %get3A_355, %dot_general3A_356 {dimension_numbers = #tpu.dot_dimension_numbers<[1], [0], [0], [1], [0, 0, 1, 1], [], []>, transpose_lhs_hint = false} : vector<4096x128xbf16>, vector<128x1xbf16>, vector<4096x1xf32> -> vector<4096x1xf32>
    %reshape3A_358 = vector.shape_cast %convert_element_type3A_350 : vector<4096x128xbf16> to vector<64x64x128xbf16>
    %reshape3A_359 = vector.shape_cast %convert_element_type3A_263 : vector<64x64xbf16> to vector<64x64x1xbf16>
    %mul3A_360 = vector.broadcast %reshape3A_359 : vector<64x64x1xbf16> to vector<64x64x128xbf16>
    %mul3A_361 = arith.mulf %reshape3A_358, %mul3A_360 : vector<64x64x128xbf16>
    %reshape3A_362 = vector.shape_cast %dot_general3A_357 : vector<4096x1xf32> to vector<64x64xf32>
    %swap3A = arith.constant 0 : index
    %swap3A_363 = arith.constant 0 : index
    %swap3A_364 = vector.load %arg33[%swap3A, %swap3A_363] : memref<64x64xf32, #tpu.memory_space<vmem>>, vector<64x64xf32>
    tpu.vector_store %arg33[%swap3A, %swap3A_363], %reshape3A_362 {strides = array<i32>} : memref<64x64xf32, #tpu.memory_space<vmem>>, vector<64x64xf32>,
    %get3A_365 = arith.constant 0 : index
    %get3A_366 = arith.constant 0 : index
    %get3A_367 = vector.load %arg33[%get3A_365, %get3A_366] : memref<64x64xf32, #tpu.memory_space<vmem>>, vector<64x64xf32>
    %get3A_368 = arith.constant 0 : index
    %get3A_369 = memref.load %arg3[%get3A_368] : memref<3xf32, #tpu.memory_space<smem>>
    %add3A_370 = vector.broadcast %get3A_369 : f32 to vector<64x64xf32>
    %add3A_371 = arith.addf %get3A_367, %add3A_370 : vector<64x64xf32>
    %tanh3A = math.tanh %add3A_371 : vector<64x64xf32>
    %mul3A_372 = arith.mulf %tanh3A, %mul3A_249 : vector<64x64xf32>
    %convert_element_type3A_373 = arith.extf %mul3A_361 : vector<64x64x128xbf16> to vector<64x64x128xf32>
    %reduce_sum3A_374 = arith.constant dense<0.000000e+00> : vector<64x128xf32>
    %reduce_sum3A_375 = vector.multi_reduction <add>, %convert_element_type3A_373, %reduce_sum3A_374 [1] : vector<64x64x128xf32> to vector<64x128xf32>
    %convert_element_type3A_376 = arith.truncf %reduce_sum3A_375 : vector<64x128xf32> to vector<64x128xbf16>
    %convert_element_type3A_377 = arith.extf %convert_element_type3A_376 : vector<64x128xbf16> to vector<64x128xf32>
    %mul3A_378 = vector.broadcast %add3A_262 : vector<64x1xf32> to vector<64x128xf32>
    %mul3A_379 = arith.mulf %convert_element_type3A_377, %mul3A_378 : vector<64x128xf32>
    %reduce_sum3A_380 = arith.constant dense<0.000000e+00> : vector<64xf32>
    %reduce_sum3A_381 = vector.multi_reduction <add>, %mul3A_372, %reduce_sum3A_380 [1] : vector<64x64xf32> to vector<64xf32>
    %broadcast_in_dim3A_382 = vector.shape_cast %reduce_sum3A_381 : vector<64xf32> to vector<64x1xf32>
    %mul3A_383 = vector.broadcast %broadcast_in_dim3A_382 : vector<64x1xf32> to vector<64x8xf32>
    %mul3A_384 = arith.mulf %add3A_142, %mul3A_383 : vector<64x8xf32>
    %dot_general3A_385 = arith.constant dense<0.000000e+00> : vector<64x8xf32>
    %dot_general3A_386 = tpu.matmul %mul3A_372, %add3A_142, %dot_general3A_385 {dimension_numbers = #tpu.dot_dimension_numbers<[1], [0], [0], [1], [0, 0, 1, 1], [], []>, transpose_lhs_hint = false} : vector<64x64xf32>, vector<64x8xf32>, vector<64x8xf32> -> vector<64x8xf32>
    %sub3A_387 = arith.subf %mul3A_384, %dot_general3A_386 : vector<64x8xf32>
    %mul3A_388 = vector.broadcast %add3A_262 : vector<64x1xf32> to vector<64x8xf32>
    %mul3A_389 = arith.mulf %sub3A_387, %mul3A_388 : vector<64x8xf32>
    %add3A_390 = arith.addf %add3A_142, %mul3A_389 : vector<64x8xf32>
    %concatenate3A_391 = tpu.concatenate %add3A_217, %mul3A_379 in 1 : vector<64x128xf32>, vector<64x128xf32> -> vector<64x256xf32>
    %get3A_392 = arith.constant 0 : index
    %get3A_393 = arith.constant 0 : index
    %get3A_394 = arith.constant 0 : index
    %get3A_395 = vector.load %arg26[%get3A_392, %get3A_393, %get3A_394] : memref<3x256x128xf32, #tpu.memory_space<vmem>>, vector<1x256x128xf32>
    %get3A_396 = vector.shape_cast %get3A_395 : vector<1x256x128xf32> to vector<256x128xf32>
    %dot_general3A_397 = arith.constant dense<0.000000e+00> : vector<64x128xf32>
    %dot_general3A_398 = tpu.matmul %concatenate3A_391, %get3A_396, %dot_general3A_397 {dimension_numbers = #tpu.dot_dimension_numbers<[1], [0], [0], [1], [0, 0, 1, 1], [], []>, transpose_lhs_hint = false} : vector<64x256xf32>, vector<256x128xf32>, vector<64x128xf32> -> vector<64x128xf32>
    %get3A_399 = arith.constant 0 : index
    %get3A_400 = arith.constant 0 : index
    %get3A_401 = arith.constant 0 : index
    %get3A_402 = vector.load %arg27[%get3A_399, %get3A_400, %get3A_401] : memref<3x1x128xf32, #tpu.memory_space<vmem>>, vector<1x1x128xf32>
    %get3A_403 = vector.shape_cast %get3A_402 : vector<1x1x128xf32> to vector<1x128xf32>
    %add3A_404 = vector.broadcast %get3A_403 : vector<1x128xf32> to vector<64x128xf32>
    %add3A_405 = arith.addf %dot_general3A_398, %add3A_404 : vector<64x128xf32>
    %max3A_406 = arith.constant 0.000000e+00 : f32
    %max3A_407 = vector.broadcast %max3A_406 : f32 to vector<64x128xf32>
    %max3A_408 = arith.maximumf %add3A_405, %max3A_407 : vector<64x128xf32>
    %get3A_409 = arith.constant 0 : index
    %get3A_410 = arith.constant 0 : index
    %get3A_411 = arith.constant 0 : index
    %get3A_412 = vector.load %arg28[%get3A_409, %get3A_410, %get3A_411] : memref<3x128x128xf32, #tpu.memory_space<vmem>>, vector<1x128x128xf32>
    %get3A_413 = vector.shape_cast %get3A_412 : vector<1x128x128xf32> to vector<128x128xf32>
    %dot_general3A_414 = arith.constant dense<0.000000e+00> : vector<64x128xf32>
    %dot_general3A_415 = tpu.matmul %max3A_408, %get3A_413, %dot_general3A_414 {dimension_numbers = #tpu.dot_dimension_numbers<[1], [0], [0], [1], [0, 0, 1, 1], [], []>, transpose_lhs_hint = false} : vector<64x128xf32>, vector<128x128xf32>, vector<64x128xf32> -> vector<64x128xf32>
    %add3A_416 = arith.addf %add3A_217, %dot_general3A_415 : vector<64x128xf32>
    %get3A_417 = arith.constant 0 : index
    %get3A_418 = arith.constant 0 : index
    %get3A_419 = arith.constant 0 : index
    %get3A_420 = vector.load %arg29[%get3A_417, %get3A_418, %get3A_419] : memref<3x1x128xf32, #tpu.memory_space<vmem>>, vector<1x1x128xf32>
    %get3A_421 = vector.shape_cast %get3A_420 : vector<1x1x128xf32> to vector<1x128xf32>
    %add3A_422 = vector.broadcast %get3A_421 : vector<1x128xf32> to vector<64x128xf32>
    %add3A_423 = arith.addf %add3A_416, %add3A_422 : vector<64x128xf32>
    %get3A_424 = arith.constant 1 : index
    %get3A_425 = arith.constant 0 : index
    %get3A_426 = arith.constant 0 : index
    %get3A_427 = vector.load %arg18[%get3A_424, %get3A_425, %get3A_426] : memref<3x128x128xf32, #tpu.memory_space<vmem>>, vector<1x128x128xf32>
    %get3A_428 = vector.shape_cast %get3A_427 : vector<1x128x128xf32> to vector<128x128xf32>
    %dot_general3A_429 = arith.constant dense<0.000000e+00> : vector<64x128xf32>
    %dot_general3A_430 = tpu.matmul %add3A_423, %get3A_428, %dot_general3A_429 {dimension_numbers = #tpu.dot_dimension_numbers<[1], [0], [0], [1], [0, 0, 1, 1], [], []>, transpose_lhs_hint = false} : vector<64x128xf32>, vector<128x128xf32>, vector<64x128xf32> -> vector<64x128xf32>
    %get3A_431 = arith.constant 1 : index
    %get3A_432 = arith.constant 0 : index
    %get3A_433 = arith.constant 0 : index
    %get3A_434 = vector.load %arg22[%get3A_431, %get3A_432, %get3A_433] : memref<3x1x128xf32, #tpu.memory_space<vmem>>, vector<1x1x128xf32>
    %get3A_435 = vector.shape_cast %get3A_434 : vector<1x1x128xf32> to vector<1x128xf32>
    %add3A_436 = vector.broadcast %get3A_435 : vector<1x128xf32> to vector<64x128xf32>
    %add3A_437 = arith.addf %dot_general3A_430, %add3A_436 : vector<64x128xf32>
    %get3A_438 = arith.constant 1 : index
    %get3A_439 = arith.constant 0 : index
    %get3A_440 = arith.constant 0 : index
    %get3A_441 = vector.load %arg19[%get3A_438, %get3A_439, %get3A_440] : memref<3x128x128xf32, #tpu.memory_space<vmem>>, vector<1x128x128xf32>
    %get3A_442 = vector.shape_cast %get3A_441 : vector<1x128x128xf32> to vector<128x128xf32>
    %dot_general3A_443 = arith.constant dense<0.000000e+00> : vector<64x128xf32>
    %dot_general3A_444 = tpu.matmul %add3A_423, %get3A_442, %dot_general3A_443 {dimension_numbers = #tpu.dot_dimension_numbers<[1], [0], [0], [1], [0, 0, 1, 1], [], []>, transpose_lhs_hint = false} : vector<64x128xf32>, vector<128x128xf32>, vector<64x128xf32> -> vector<64x128xf32>
    %mul3A_445 = arith.mulf %add3A_390, %add3A_390 : vector<64x8xf32>
    %reduce_sum3A_446 = arith.constant dense<0.000000e+00> : vector<64xf32>
    %reduce_sum3A_447 = vector.multi_reduction <add>, %mul3A_445, %reduce_sum3A_446 [1] : vector<64x8xf32> to vector<64xf32>
    %broadcast_in_dim3A_448 = vector.shape_cast %reduce_sum3A_447 : vector<64xf32> to vector<64x1xf32>
    %transpose3A_449 = tpu.transpose %add3A_390, [1, 0] : vector<64x8xf32> -> vector<8x64xf32>
    %dot_general3A_450 = arith.constant dense<0.000000e+00> : vector<64x64xf32>
    %dot_general3A_451 = tpu.matmul %add3A_390, %transpose3A_449, %dot_general3A_450 {dimension_numbers = #tpu.dot_dimension_numbers<[1], [0], [0], [1], [0, 0, 1, 1], [], []>, transpose_lhs_hint = false} : vector<64x8xf32>, vector<8x64xf32>, vector<64x64xf32> -> vector<64x64xf32>
    %reshape3A_452 = vector.shape_cast %broadcast_in_dim3A_448 : vector<64x1xf32> to vector<1x64xf32>
    %add3A_453 = vector.broadcast %broadcast_in_dim3A_448 : vector<64x1xf32> to vector<64x64xf32>
    %add3A_454 = vector.broadcast %reshape3A_452 : vector<1x64xf32> to vector<64x64xf32>
    %add3A_455 = arith.addf %add3A_453, %add3A_454 : vector<64x64xf32>
    %mul3A_456 = arith.constant 2.000000e+00 : f32
    %mul3A_457 = vector.broadcast %mul3A_456 : f32 to vector<64x64xf32>
    %mul3A_458 = arith.mulf %mul3A_457, %dot_general3A_451 : vector<64x64xf32>
    %sub3A_459 = arith.subf %add3A_455, %mul3A_458 : vector<64x64xf32>
    %convert_element_type3A_460 = arith.truncf %add3A_437 : vector<64x128xf32> to vector<64x128xbf16>
    %convert_element_type3A_461 = arith.truncf %dot_general3A_444 : vector<64x128xf32> to vector<64x128xbf16>
    %convert_element_type3A_462 = arith.truncf %sub3A_459 : vector<64x64xf32> to vector<64x64xbf16>
    %convert_element_type3A_463 = arith.truncf %convert_element_type3A_227 : vector<64x64xf32> to vector<64x64xbf16>
    %reshape3A_464 = vector.shape_cast %convert_element_type3A_460 : vector<64x128xbf16> to vector<64x1x128xbf16>
    %reshape3A_465 = vector.shape_cast %convert_element_type3A_461 : vector<64x128xbf16> to vector<1x64x128xbf16>
    %add3A_466 = vector.broadcast %reshape3A_464 : vector<64x1x128xbf16> to vector<64x64x128xbf16>
    %add3A_467 = vector.broadcast %reshape3A_465 : vector<1x64x128xbf16> to vector<64x64x128xbf16>
    %add3A_468 = arith.addf %add3A_466, %add3A_467 : vector<64x64x128xbf16>
    %reshape3A_469 = vector.shape_cast %convert_element_type3A_462 : vector<64x64xbf16> to vector<64x64x1xbf16>
    %get3A_470 = arith.constant 1 : index
    %get3A_471 = arith.constant 0 : index
    %get3A_472 = arith.constant 0 : index
    %get3A_473 = vector.load %arg20[%get3A_470, %get3A_471, %get3A_472] : memref<3x1x128xbf16, #tpu.memory_space<vmem>>, vector<1x1x128xbf16>
    %get3A_474 = vector.shape_cast %get3A_473 : vector<1x1x128xbf16> to vector<1x128xbf16>
    %reshape3A_475 = vector.shape_cast %get3A_474 : vector<1x128xbf16> to vector<1x1x128xbf16>
    %mul3A_476 = vector.broadcast %reshape3A_469 : vector<64x64x1xbf16> to vector<64x64x128xbf16>
    %mul3A_477 = vector.broadcast %reshape3A_475 : vector<1x1x128xbf16> to vector<64x64x128xbf16>
    %mul3A_478 = arith.mulf %mul3A_476, %mul3A_477 : vector<64x64x128xbf16>
    %add3A_479 = arith.addf %add3A_468, %mul3A_478 : vector<64x64x128xbf16>
    %reshape3A_480 = vector.shape_cast %convert_element_type3A_463 : vector<64x64xbf16> to vector<64x64x1xbf16>
    %get3A_481 = arith.constant 1 : index
    %get3A_482 = arith.constant 0 : index
    %get3A_483 = arith.constant 0 : index
    %get3A_484 = vector.load %arg21[%get3A_481, %get3A_482, %get3A_483] : memref<3x1x128xbf16, #tpu.memory_space<vmem>>, vector<1x1x128xbf16>
    %get3A_485 = vector.shape_cast %get3A_484 : vector<1x1x128xbf16> to vector<1x128xbf16>
    %reshape3A_486 = vector.shape_cast %get3A_485 : vector<1x128xbf16> to vector<1x1x128xbf16>
    %mul3A_487 = vector.broadcast %reshape3A_480 : vector<64x64x1xbf16> to vector<64x64x128xbf16>
    %mul3A_488 = vector.broadcast %reshape3A_486 : vector<1x1x128xbf16> to vector<64x64x128xbf16>
    %mul3A_489 = arith.mulf %mul3A_487, %mul3A_488 : vector<64x64x128xbf16>
    %add3A_490 = arith.addf %add3A_479, %mul3A_489 : vector<64x64x128xbf16>
    %max3A_491 = arith.constant 0.000000e+00 : bf16
    %max3A_492 = vector.broadcast %max3A_491 : bf16 to vector<64x64x128xbf16>
    %max3A_493 = arith.maximumf %add3A_490, %max3A_492 : vector<64x64x128xbf16>
    %reshape3A_494 = vector.shape_cast %max3A_493 : vector<64x64x128xbf16> to vector<4096x128xbf16>
    %get3A_495 = arith.constant 1 : index
    %get3A_496 = arith.constant 0 : index
    %get3A_497 = arith.constant 0 : index
    %get3A_498 = vector.load %arg23[%get3A_495, %get3A_496, %get3A_497] : memref<3x128x128xbf16, #tpu.memory_space<vmem>>, vector<1x128x128xbf16>
    %get3A_499 = vector.shape_cast %get3A_498 : vector<1x128x128xbf16> to vector<128x128xbf16>
    %dot_general3A_500 = arith.constant dense<0.000000e+00> : vector<4096x128xf32>
    %dot_general3A_501 = tpu.matmul %reshape3A_494, %get3A_499, %dot_general3A_500 {dimension_numbers = #tpu.dot_dimension_numbers<[1], [0], [0], [1], [0, 0, 1, 1], [], []>, transpose_lhs_hint = false} : vector<4096x128xbf16>, vector<128x128xbf16>, vector<4096x128xf32> -> vector<4096x128xf32>
    %get3A_502 = arith.constant 1 : index
    %get3A_503 = arith.constant 0 : index
    %get3A_504 = arith.constant 0 : index
    %get3A_505 = vector.load %arg24[%get3A_502, %get3A_503, %get3A_504] : memref<3x1x128xf32, #tpu.memory_space<vmem>>, vector<1x1x128xf32>
    %get3A_506 = vector.shape_cast %get3A_505 : vector<1x1x128xf32> to vector<1x128xf32>
    %add3A_507 = vector.broadcast %get3A_506 : vector<1x128xf32> to vector<4096x128xf32>
    %add3A_508 = arith.addf %dot_general3A_501, %add3A_507 : vector<4096x128xf32>
    %max3A_509 = arith.constant 0.000000e+00 : f32
    %max3A_510 = vector.broadcast %max3A_509 : f32 to vector<4096x128xf32>
    %max3A_511 = arith.maximumf %add3A_508, %max3A_510 : vector<4096x128xf32>
    %convert_element_type3A_512 = arith.truncf %max3A_511 : vector<4096x128xf32> to vector<4096x128xbf16>
    %get3A_513 = arith.constant 1 : index
    %get3A_514 = arith.constant 0 : index
    %get3A_515 = arith.constant 0 : index
    %get3A_516 = vector.load %arg25[%get3A_513, %get3A_514, %get3A_515] : memref<3x128x1xbf16, #tpu.memory_space<vmem>>, vector<1x128x1xbf16>
    %get3A_517 = vector.shape_cast %get3A_516 : vector<1x128x1xbf16> to vector<128x1xbf16>
    %dot_general3A_518 = arith.constant dense<0.000000e+00> : vector<4096x1xf32>
    %dot_general3A_519 = tpu.matmul %convert_element_type3A_512, %get3A_517, %dot_general3A_518 {dimension_numbers = #tpu.dot_dimension_numbers<[1], [0], [0], [1], [0, 0, 1, 1], [], []>, transpose_lhs_hint = false} : vector<4096x128xbf16>, vector<128x1xbf16>, vector<4096x1xf32> -> vector<4096x1xf32>
    %reshape3A_520 = vector.shape_cast %convert_element_type3A_512 : vector<4096x128xbf16> to vector<64x64x128xbf16>
    %reshape3A_521 = vector.shape_cast %convert_element_type3A_263 : vector<64x64xbf16> to vector<64x64x1xbf16>
    %mul3A_522 = vector.broadcast %reshape3A_521 : vector<64x64x1xbf16> to vector<64x64x128xbf16>
    %mul3A_523 = arith.mulf %reshape3A_520, %mul3A_522 : vector<64x64x128xbf16>
    %reshape3A_524 = vector.shape_cast %dot_general3A_519 : vector<4096x1xf32> to vector<64x64xf32>
    %swap3A_525 = arith.constant 0 : index
    %swap3A_526 = arith.constant 0 : index
    %swap3A_527 = vector.load %arg33[%swap3A_525, %swap3A_526] : memref<64x64xf32, #tpu.memory_space<vmem>>, vector<64x64xf32>
    tpu.vector_store %arg33[%swap3A_525, %swap3A_526], %reshape3A_524 {strides = array<i32>} : memref<64x64xf32, #tpu.memory_space<vmem>>, vector<64x64xf32>,
    %get3A_528 = arith.constant 0 : index
    %get3A_529 = arith.constant 0 : index
    %get3A_530 = vector.load %arg33[%get3A_528, %get3A_529] : memref<64x64xf32, #tpu.memory_space<vmem>>, vector<64x64xf32>
    %get3A_531 = arith.constant 1 : index
    %get3A_532 = memref.load %arg3[%get3A_531] : memref<3xf32, #tpu.memory_space<smem>>
    %add3A_533 = vector.broadcast %get3A_532 : f32 to vector<64x64xf32>
    %add3A_534 = arith.addf %get3A_530, %add3A_533 : vector<64x64xf32>
    %tanh3A_535 = math.tanh %add3A_534 : vector<64x64xf32>
    %mul3A_536 = arith.mulf %tanh3A_535, %mul3A_249 : vector<64x64xf32>
    %convert_element_type3A_537 = arith.extf %mul3A_523 : vector<64x64x128xbf16> to vector<64x64x128xf32>
    %reduce_sum3A_538 = arith.constant dense<0.000000e+00> : vector<64x128xf32>
    %reduce_sum3A_539 = vector.multi_reduction <add>, %convert_element_type3A_537, %reduce_sum3A_538 [1] : vector<64x64x128xf32> to vector<64x128xf32>
    %convert_element_type3A_540 = arith.truncf %reduce_sum3A_539 : vector<64x128xf32> to vector<64x128xbf16>
    %convert_element_type3A_541 = arith.extf %convert_element_type3A_540 : vector<64x128xbf16> to vector<64x128xf32>
    %mul3A_542 = vector.broadcast %add3A_262 : vector<64x1xf32> to vector<64x128xf32>
    %mul3A_543 = arith.mulf %convert_element_type3A_541, %mul3A_542 : vector<64x128xf32>
    %reduce_sum3A_544 = arith.constant dense<0.000000e+00> : vector<64xf32>
    %reduce_sum3A_545 = vector.multi_reduction <add>, %mul3A_536, %reduce_sum3A_544 [1] : vector<64x64xf32> to vector<64xf32>
    %broadcast_in_dim3A_546 = vector.shape_cast %reduce_sum3A_545 : vector<64xf32> to vector<64x1xf32>
    %mul3A_547 = vector.broadcast %broadcast_in_dim3A_546 : vector<64x1xf32> to vector<64x8xf32>
    %mul3A_548 = arith.mulf %add3A_390, %mul3A_547 : vector<64x8xf32>
    %dot_general3A_549 = arith.constant dense<0.000000e+00> : vector<64x8xf32>
    %dot_general3A_550 = tpu.matmul %mul3A_536, %add3A_390, %dot_general3A_549 {dimension_numbers = #tpu.dot_dimension_numbers<[1], [0], [0], [1], [0, 0, 1, 1], [], []>, transpose_lhs_hint = false} : vector<64x64xf32>, vector<64x8xf32>, vector<64x8xf32> -> vector<64x8xf32>
    %sub3A_551 = arith.subf %mul3A_548, %dot_general3A_550 : vector<64x8xf32>
    %mul3A_552 = vector.broadcast %add3A_262 : vector<64x1xf32> to vector<64x8xf32>
    %mul3A_553 = arith.mulf %sub3A_551, %mul3A_552 : vector<64x8xf32>
    %add3A_554 = arith.addf %add3A_390, %mul3A_553 : vector<64x8xf32>
    %concatenate3A_555 = tpu.concatenate %add3A_423, %mul3A_543 in 1 : vector<64x128xf32>, vector<64x128xf32> -> vector<64x256xf32>
    %get3A_556 = arith.constant 1 : index
    %get3A_557 = arith.constant 0 : index
    %get3A_558 = arith.constant 0 : index
    %get3A_559 = vector.load %arg26[%get3A_556, %get3A_557, %get3A_558] : memref<3x256x128xf32, #tpu.memory_space<vmem>>, vector<1x256x128xf32>
    %get3A_560 = vector.shape_cast %get3A_559 : vector<1x256x128xf32> to vector<256x128xf32>
    %dot_general3A_561 = arith.constant dense<0.000000e+00> : vector<64x128xf32>
    %dot_general3A_562 = tpu.matmul %concatenate3A_555, %get3A_560, %dot_general3A_561 {dimension_numbers = #tpu.dot_dimension_numbers<[1], [0], [0], [1], [0, 0, 1, 1], [], []>, transpose_lhs_hint = false} : vector<64x256xf32>, vector<256x128xf32>, vector<64x128xf32> -> vector<64x128xf32>
    %get3A_563 = arith.constant 1 : index
    %get3A_564 = arith.constant 0 : index
    %get3A_565 = arith.constant 0 : index
    %get3A_566 = vector.load %arg27[%get3A_563, %get3A_564, %get3A_565] : memref<3x1x128xf32, #tpu.memory_space<vmem>>, vector<1x1x128xf32>
    %get3A_567 = vector.shape_cast %get3A_566 : vector<1x1x128xf32> to vector<1x128xf32>
    %add3A_568 = vector.broadcast %get3A_567 : vector<1x128xf32> to vector<64x128xf32>
    %add3A_569 = arith.addf %dot_general3A_562, %add3A_568 : vector<64x128xf32>
    %max3A_570 = arith.constant 0.000000e+00 : f32
    %max3A_571 = vector.broadcast %max3A_570 : f32 to vector<64x128xf32>
    %max3A_572 = arith.maximumf %add3A_569, %max3A_571 : vector<64x128xf32>
    %get3A_573 = arith.constant 1 : index
    %get3A_574 = arith.constant 0 : index
    %get3A_575 = arith.constant 0 : index
    %get3A_576 = vector.load %arg28[%get3A_573, %get3A_574, %get3A_575] : memref<3x128x128xf32, #tpu.memory_space<vmem>>, vector<1x128x128xf32>
    %get3A_577 = vector.shape_cast %get3A_576 : vector<1x128x128xf32> to vector<128x128xf32>
    %dot_general3A_578 = arith.constant dense<0.000000e+00> : vector<64x128xf32>
    %dot_general3A_579 = tpu.matmul %max3A_572, %get3A_577, %dot_general3A_578 {dimension_numbers = #tpu.dot_dimension_numbers<[1], [0], [0], [1], [0, 0, 1, 1], [], []>, transpose_lhs_hint = false} : vector<64x128xf32>, vector<128x128xf32>, vector<64x128xf32> -> vector<64x128xf32>
    %add3A_580 = arith.addf %add3A_423, %dot_general3A_579 : vector<64x128xf32>
    %get3A_581 = arith.constant 1 : index
    %get3A_582 = arith.constant 0 : index
    %get3A_583 = arith.constant 0 : index
    %get3A_584 = vector.load %arg29[%get3A_581, %get3A_582, %get3A_583] : memref<3x1x128xf32, #tpu.memory_space<vmem>>, vector<1x1x128xf32>
    %get3A_585 = vector.shape_cast %get3A_584 : vector<1x1x128xf32> to vector<1x128xf32>
    %add3A_586 = vector.broadcast %get3A_585 : vector<1x128xf32> to vector<64x128xf32>
    %add3A_587 = arith.addf %add3A_580, %add3A_586 : vector<64x128xf32>
    %get3A_588 = arith.constant 2 : index
    %get3A_589 = arith.constant 0 : index
    %get3A_590 = arith.constant 0 : index
    %get3A_591 = vector.load %arg18[%get3A_588, %get3A_589, %get3A_590] : memref<3x128x128xf32, #tpu.memory_space<vmem>>, vector<1x128x128xf32>
    %get3A_592 = vector.shape_cast %get3A_591 : vector<1x128x128xf32> to vector<128x128xf32>
    %dot_general3A_593 = arith.constant dense<0.000000e+00> : vector<64x128xf32>
    %dot_general3A_594 = tpu.matmul %add3A_587, %get3A_592, %dot_general3A_593 {dimension_numbers = #tpu.dot_dimension_numbers<[1], [0], [0], [1], [0, 0, 1, 1], [], []>, transpose_lhs_hint = false} : vector<64x128xf32>, vector<128x128xf32>, vector<64x128xf32> -> vector<64x128xf32>
    %get3A_595 = arith.constant 2 : index
    %get3A_596 = arith.constant 0 : index
    %get3A_597 = arith.constant 0 : index
    %get3A_598 = vector.load %arg22[%get3A_595, %get3A_596, %get3A_597] : memref<3x1x128xf32, #tpu.memory_space<vmem>>, vector<1x1x128xf32>
    %get3A_599 = vector.shape_cast %get3A_598 : vector<1x1x128xf32> to vector<1x128xf32>
    %add3A_600 = vector.broadcast %get3A_599 : vector<1x128xf32> to vector<64x128xf32>
    %add3A_601 = arith.addf %dot_general3A_594, %add3A_600 : vector<64x128xf32>
    %get3A_602 = arith.constant 2 : index
    %get3A_603 = arith.constant 0 : index
    %get3A_604 = arith.constant 0 : index
    %get3A_605 = vector.load %arg19[%get3A_602, %get3A_603, %get3A_604] : memref<3x128x128xf32, #tpu.memory_space<vmem>>, vector<1x128x128xf32>
    %get3A_606 = vector.shape_cast %get3A_605 : vector<1x128x128xf32> to vector<128x128xf32>
    %dot_general3A_607 = arith.constant dense<0.000000e+00> : vector<64x128xf32>
    %dot_general3A_608 = tpu.matmul %add3A_587, %get3A_606, %dot_general3A_607 {dimension_numbers = #tpu.dot_dimension_numbers<[1], [0], [0], [1], [0, 0, 1, 1], [], []>, transpose_lhs_hint = false} : vector<64x128xf32>, vector<128x128xf32>, vector<64x128xf32> -> vector<64x128xf32>
    %mul3A_609 = arith.mulf %add3A_554, %add3A_554 : vector<64x8xf32>
    %reduce_sum3A_610 = arith.constant dense<0.000000e+00> : vector<64xf32>
    %reduce_sum3A_611 = vector.multi_reduction <add>, %mul3A_609, %reduce_sum3A_610 [1] : vector<64x8xf32> to vector<64xf32>
    %broadcast_in_dim3A_612 = vector.shape_cast %reduce_sum3A_611 : vector<64xf32> to vector<64x1xf32>
    %transpose3A_613 = tpu.transpose %add3A_554, [1, 0] : vector<64x8xf32> -> vector<8x64xf32>
    %dot_general3A_614 = arith.constant dense<0.000000e+00> : vector<64x64xf32>
    %dot_general3A_615 = tpu.matmul %add3A_554, %transpose3A_613, %dot_general3A_614 {dimension_numbers = #tpu.dot_dimension_numbers<[1], [0], [0], [1], [0, 0, 1, 1], [], []>, transpose_lhs_hint = false} : vector<64x8xf32>, vector<8x64xf32>, vector<64x64xf32> -> vector<64x64xf32>
    %reshape3A_616 = vector.shape_cast %broadcast_in_dim3A_612 : vector<64x1xf32> to vector<1x64xf32>
    %add3A_617 = vector.broadcast %broadcast_in_dim3A_612 : vector<64x1xf32> to vector<64x64xf32>
    %add3A_618 = vector.broadcast %reshape3A_616 : vector<1x64xf32> to vector<64x64xf32>
    %add3A_619 = arith.addf %add3A_617, %add3A_618 : vector<64x64xf32>
    %mul3A_620 = arith.constant 2.000000e+00 : f32
    %mul3A_621 = vector.broadcast %mul3A_620 : f32 to vector<64x64xf32>
    %mul3A_622 = arith.mulf %mul3A_621, %dot_general3A_615 : vector<64x64xf32>
    %sub3A_623 = arith.subf %add3A_619, %mul3A_622 : vector<64x64xf32>
    %convert_element_type3A_624 = arith.truncf %add3A_601 : vector<64x128xf32> to vector<64x128xbf16>
    %convert_element_type3A_625 = arith.truncf %dot_general3A_608 : vector<64x128xf32> to vector<64x128xbf16>
    %convert_element_type3A_626 = arith.truncf %sub3A_623 : vector<64x64xf32> to vector<64x64xbf16>
    %convert_element_type3A_627 = arith.truncf %convert_element_type3A_227 : vector<64x64xf32> to vector<64x64xbf16>
    %reshape3A_628 = vector.shape_cast %convert_element_type3A_624 : vector<64x128xbf16> to vector<64x1x128xbf16>
    %reshape3A_629 = vector.shape_cast %convert_element_type3A_625 : vector<64x128xbf16> to vector<1x64x128xbf16>
    %add3A_630 = vector.broadcast %reshape3A_628 : vector<64x1x128xbf16> to vector<64x64x128xbf16>
    %add3A_631 = vector.broadcast %reshape3A_629 : vector<1x64x128xbf16> to vector<64x64x128xbf16>
    %add3A_632 = arith.addf %add3A_630, %add3A_631 : vector<64x64x128xbf16>
    %reshape3A_633 = vector.shape_cast %convert_element_type3A_626 : vector<64x64xbf16> to vector<64x64x1xbf16>
    %get3A_634 = arith.constant 2 : index
    %get3A_635 = arith.constant 0 : index
    %get3A_636 = arith.constant 0 : index
    %get3A_637 = vector.load %arg20[%get3A_634, %get3A_635, %get3A_636] : memref<3x1x128xbf16, #tpu.memory_space<vmem>>, vector<1x1x128xbf16>
    %get3A_638 = vector.shape_cast %get3A_637 : vector<1x1x128xbf16> to vector<1x128xbf16>
    %reshape3A_639 = vector.shape_cast %get3A_638 : vector<1x128xbf16> to vector<1x1x128xbf16>
    %mul3A_640 = vector.broadcast %reshape3A_633 : vector<64x64x1xbf16> to vector<64x64x128xbf16>
    %mul3A_641 = vector.broadcast %reshape3A_639 : vector<1x1x128xbf16> to vector<64x64x128xbf16>
    %mul3A_642 = arith.mulf %mul3A_640, %mul3A_641 : vector<64x64x128xbf16>
    %add3A_643 = arith.addf %add3A_632, %mul3A_642 : vector<64x64x128xbf16>
    %reshape3A_644 = vector.shape_cast %convert_element_type3A_627 : vector<64x64xbf16> to vector<64x64x1xbf16>
    %get3A_645 = arith.constant 2 : index
    %get3A_646 = arith.constant 0 : index
    %get3A_647 = arith.constant 0 : index
    %get3A_648 = vector.load %arg21[%get3A_645, %get3A_646, %get3A_647] : memref<3x1x128xbf16, #tpu.memory_space<vmem>>, vector<1x1x128xbf16>
    %get3A_649 = vector.shape_cast %get3A_648 : vector<1x1x128xbf16> to vector<1x128xbf16>
    %reshape3A_650 = vector.shape_cast %get3A_649 : vector<1x128xbf16> to vector<1x1x128xbf16>
    %mul3A_651 = vector.broadcast %reshape3A_644 : vector<64x64x1xbf16> to vector<64x64x128xbf16>
    %mul3A_652 = vector.broadcast %reshape3A_650 : vector<1x1x128xbf16> to vector<64x64x128xbf16>
    %mul3A_653 = arith.mulf %mul3A_651, %mul3A_652 : vector<64x64x128xbf16>
    %add3A_654 = arith.addf %add3A_643, %mul3A_653 : vector<64x64x128xbf16>
    %max3A_655 = arith.constant 0.000000e+00 : bf16
    %max3A_656 = vector.broadcast %max3A_655 : bf16 to vector<64x64x128xbf16>
    %max3A_657 = arith.maximumf %add3A_654, %max3A_656 : vector<64x64x128xbf16>
    %reshape3A_658 = vector.shape_cast %max3A_657 : vector<64x64x128xbf16> to vector<4096x128xbf16>
    %get3A_659 = arith.constant 2 : index
    %get3A_660 = arith.constant 0 : index
    %get3A_661 = arith.constant 0 : index
    %get3A_662 = vector.load %arg23[%get3A_659, %get3A_660, %get3A_661] : memref<3x128x128xbf16, #tpu.memory_space<vmem>>, vector<1x128x128xbf16>
    %get3A_663 = vector.shape_cast %get3A_662 : vector<1x128x128xbf16> to vector<128x128xbf16>
    %dot_general3A_664 = arith.constant dense<0.000000e+00> : vector<4096x128xf32>
    %dot_general3A_665 = tpu.matmul %reshape3A_658, %get3A_663, %dot_general3A_664 {dimension_numbers = #tpu.dot_dimension_numbers<[1], [0], [0], [1], [0, 0, 1, 1], [], []>, transpose_lhs_hint = false} : vector<4096x128xbf16>, vector<128x128xbf16>, vector<4096x128xf32> -> vector<4096x128xf32>
    %get3A_666 = arith.constant 2 : index
    %get3A_667 = arith.constant 0 : index
    %get3A_668 = arith.constant 0 : index
    %get3A_669 = vector.load %arg24[%get3A_666, %get3A_667, %get3A_668] : memref<3x1x128xf32, #tpu.memory_space<vmem>>, vector<1x1x128xf32>
    %get3A_670 = vector.shape_cast %get3A_669 : vector<1x1x128xf32> to vector<1x128xf32>
    %add3A_671 = vector.broadcast %get3A_670 : vector<1x128xf32> to vector<4096x128xf32>
    %add3A_672 = arith.addf %dot_general3A_665, %add3A_671 : vector<4096x128xf32>
    %max3A_673 = arith.constant 0.000000e+00 : f32
    %max3A_674 = vector.broadcast %max3A_673 : f32 to vector<4096x128xf32>
    %max3A_675 = arith.maximumf %add3A_672, %max3A_674 : vector<4096x128xf32>
    %convert_element_type3A_676 = arith.truncf %max3A_675 : vector<4096x128xf32> to vector<4096x128xbf16>
    %get3A_677 = arith.constant 2 : index
    %get3A_678 = arith.constant 0 : index
    %get3A_679 = arith.constant 0 : index
    %get3A_680 = vector.load %arg25[%get3A_677, %get3A_678, %get3A_679] : memref<3x128x1xbf16, #tpu.memory_space<vmem>>, vector<1x128x1xbf16>
    %get3A_681 = vector.shape_cast %get3A_680 : vector<1x128x1xbf16> to vector<128x1xbf16>
    %dot_general3A_682 = arith.constant dense<0.000000e+00> : vector<4096x1xf32>
    %dot_general3A_683 = tpu.matmul %convert_element_type3A_676, %get3A_681, %dot_general3A_682 {dimension_numbers = #tpu.dot_dimension_numbers<[1], [0], [0], [1], [0, 0, 1, 1], [], []>, transpose_lhs_hint = false} : vector<4096x128xbf16>, vector<128x1xbf16>, vector<4096x1xf32> -> vector<4096x1xf32>
    %reshape3A_684 = vector.shape_cast %convert_element_type3A_676 : vector<4096x128xbf16> to vector<64x64x128xbf16>
    %reshape3A_685 = vector.shape_cast %convert_element_type3A_263 : vector<64x64xbf16> to vector<64x64x1xbf16>
    %mul3A_686 = vector.broadcast %reshape3A_685 : vector<64x64x1xbf16> to vector<64x64x128xbf16>
    %mul3A_687 = arith.mulf %reshape3A_684, %mul3A_686 : vector<64x64x128xbf16>
    %reshape3A_688 = vector.shape_cast %dot_general3A_683 : vector<4096x1xf32> to vector<64x64xf32>
    %swap3A_689 = arith.constant 0 : index
    %swap3A_690 = arith.constant 0 : index
    %swap3A_691 = vector.load %arg33[%swap3A_689, %swap3A_690] : memref<64x64xf32, #tpu.memory_space<vmem>>, vector<64x64xf32>
    tpu.vector_store %arg33[%swap3A_689, %swap3A_690], %reshape3A_688 {strides = array<i32>} : memref<64x64xf32, #tpu.memory_space<vmem>>, vector<64x64xf32>,
    %get3A_692 = arith.constant 0 : index
    %get3A_693 = arith.constant 0 : index
    %get3A_694 = vector.load %arg33[%get3A_692, %get3A_693] : memref<64x64xf32, #tpu.memory_space<vmem>>, vector<64x64xf32>
    %get3A_695 = arith.constant 2 : index
    %get3A_696 = memref.load %arg3[%get3A_695] : memref<3xf32, #tpu.memory_space<smem>>
    %add3A_697 = vector.broadcast %get3A_696 : f32 to vector<64x64xf32>
    %add3A_698 = arith.addf %get3A_694, %add3A_697 : vector<64x64xf32>
    %tanh3A_699 = math.tanh %add3A_698 : vector<64x64xf32>
    %mul3A_700 = arith.mulf %tanh3A_699, %mul3A_249 : vector<64x64xf32>
    %convert_element_type3A_701 = arith.extf %mul3A_687 : vector<64x64x128xbf16> to vector<64x64x128xf32>
    %reduce_sum3A_702 = arith.constant dense<0.000000e+00> : vector<64x128xf32>
    %reduce_sum3A_703 = vector.multi_reduction <add>, %convert_element_type3A_701, %reduce_sum3A_702 [1] : vector<64x64x128xf32> to vector<64x128xf32>
    %convert_element_type3A_704 = arith.truncf %reduce_sum3A_703 : vector<64x128xf32> to vector<64x128xbf16>
    %convert_element_type3A_705 = arith.extf %convert_element_type3A_704 : vector<64x128xbf16> to vector<64x128xf32>
    %mul3A_706 = vector.broadcast %add3A_262 : vector<64x1xf32> to vector<64x128xf32>
    %mul3A_707 = arith.mulf %convert_element_type3A_705, %mul3A_706 : vector<64x128xf32>
    %reduce_sum3A_708 = arith.constant dense<0.000000e+00> : vector<64xf32>
    %reduce_sum3A_709 = vector.multi_reduction <add>, %mul3A_700, %reduce_sum3A_708 [1] : vector<64x64xf32> to vector<64xf32>
    %broadcast_in_dim3A_710 = vector.shape_cast %reduce_sum3A_709 : vector<64xf32> to vector<64x1xf32>
    %mul3A_711 = vector.broadcast %broadcast_in_dim3A_710 : vector<64x1xf32> to vector<64x8xf32>
    %mul3A_712 = arith.mulf %add3A_554, %mul3A_711 : vector<64x8xf32>
    %dot_general3A_713 = arith.constant dense<0.000000e+00> : vector<64x8xf32>
    %dot_general3A_714 = tpu.matmul %mul3A_700, %add3A_554, %dot_general3A_713 {dimension_numbers = #tpu.dot_dimension_numbers<[1], [0], [0], [1], [0, 0, 1, 1], [], []>, transpose_lhs_hint = false} : vector<64x64xf32>, vector<64x8xf32>, vector<64x8xf32> -> vector<64x8xf32>
    %sub3A_715 = arith.subf %mul3A_712, %dot_general3A_714 : vector<64x8xf32>
    %mul3A_716 = vector.broadcast %add3A_262 : vector<64x1xf32> to vector<64x8xf32>
    %mul3A_717 = arith.mulf %sub3A_715, %mul3A_716 : vector<64x8xf32>
    %add3A_718 = arith.addf %add3A_554, %mul3A_717 : vector<64x8xf32>
    %concatenate3A_719 = tpu.concatenate %add3A_587, %mul3A_707 in 1 : vector<64x128xf32>, vector<64x128xf32> -> vector<64x256xf32>
    %get3A_720 = arith.constant 2 : index
    %get3A_721 = arith.constant 0 : index
    %get3A_722 = arith.constant 0 : index
    %get3A_723 = vector.load %arg26[%get3A_720, %get3A_721, %get3A_722] : memref<3x256x128xf32, #tpu.memory_space<vmem>>, vector<1x256x128xf32>
    %get3A_724 = vector.shape_cast %get3A_723 : vector<1x256x128xf32> to vector<256x128xf32>
    %dot_general3A_725 = arith.constant dense<0.000000e+00> : vector<64x128xf32>
    %dot_general3A_726 = tpu.matmul %concatenate3A_719, %get3A_724, %dot_general3A_725 {dimension_numbers = #tpu.dot_dimension_numbers<[1], [0], [0], [1], [0, 0, 1, 1], [], []>, transpose_lhs_hint = false} : vector<64x256xf32>, vector<256x128xf32>, vector<64x128xf32> -> vector<64x128xf32>
    %get3A_727 = arith.constant 2 : index
    %get3A_728 = arith.constant 0 : index
    %get3A_729 = arith.constant 0 : index
    %get3A_730 = vector.load %arg27[%get3A_727, %get3A_728, %get3A_729] : memref<3x1x128xf32, #tpu.memory_space<vmem>>, vector<1x1x128xf32>
    %get3A_731 = vector.shape_cast %get3A_730 : vector<1x1x128xf32> to vector<1x128xf32>
    %add3A_732 = vector.broadcast %get3A_731 : vector<1x128xf32> to vector<64x128xf32>
    %add3A_733 = arith.addf %dot_general3A_726, %add3A_732 : vector<64x128xf32>
    %max3A_734 = arith.constant 0.000000e+00 : f32
    %max3A_735 = vector.broadcast %max3A_734 : f32 to vector<64x128xf32>
    %max3A_736 = arith.maximumf %add3A_733, %max3A_735 : vector<64x128xf32>
    %get3A_737 = arith.constant 2 : index
    %get3A_738 = arith.constant 0 : index
    %get3A_739 = arith.constant 0 : index
    %get3A_740 = vector.load %arg28[%get3A_737, %get3A_738, %get3A_739] : memref<3x128x128xf32, #tpu.memory_space<vmem>>, vector<1x128x128xf32>
    %get3A_741 = vector.shape_cast %get3A_740 : vector<1x128x128xf32> to vector<128x128xf32>
    %dot_general3A_742 = arith.constant dense<0.000000e+00> : vector<64x128xf32>
    %dot_general3A_743 = tpu.matmul %max3A_736, %get3A_741, %dot_general3A_742 {dimension_numbers = #tpu.dot_dimension_numbers<[1], [0], [0], [1], [0, 0, 1, 1], [], []>, transpose_lhs_hint = false} : vector<64x128xf32>, vector<128x128xf32>, vector<64x128xf32> -> vector<64x128xf32>
    %add3A_744 = arith.addf %add3A_587, %dot_general3A_743 : vector<64x128xf32>
    %get3A_745 = arith.constant 2 : index
    %get3A_746 = arith.constant 0 : index
    %get3A_747 = arith.constant 0 : index
    %get3A_748 = vector.load %arg29[%get3A_745, %get3A_746, %get3A_747] : memref<3x1x128xf32, #tpu.memory_space<vmem>>, vector<1x1x128xf32>
    %get3A_749 = vector.shape_cast %get3A_748 : vector<1x1x128xf32> to vector<1x128xf32>
    %add3A_750 = vector.broadcast %get3A_749 : vector<1x128xf32> to vector<64x128xf32>
    %add3A_751 = arith.addf %add3A_744, %add3A_750 : vector<64x128xf32>
    %get3A_752 = arith.constant 0 : index
    %get3A_753 = arith.constant 0 : index
    %get3A_754 = vector.load %arg30[%get3A_752, %get3A_753] : memref<128x16xf32, #tpu.memory_space<vmem>>, vector<128x16xf32>
    %dot_general3A_755 = arith.constant dense<0.000000e+00> : vector<64x16xf32>
    %dot_general3A_756 = tpu.matmul %add3A_751, %get3A_754, %dot_general3A_755 {dimension_numbers = #tpu.dot_dimension_numbers<[1], [0], [0], [1], [0, 0, 1, 1], [], []>, transpose_lhs_hint = false} : vector<64x128xf32>, vector<128x16xf32>, vector<64x16xf32> -> vector<64x16xf32>
    %get3A_757 = arith.constant 0 : index
    %get3A_758 = arith.constant 0 : index
    %get3A_759 = vector.load %arg31[%get3A_757, %get3A_758] : memref<1x16xf32, #tpu.memory_space<vmem>>, vector<1x16xf32>
    %add3A_760 = vector.broadcast %get3A_759 : vector<1x16xf32> to vector<64x16xf32>
    %add3A_761 = arith.addf %dot_general3A_756, %add3A_760 : vector<64x16xf32>
    %sub3A_762 = arith.subf %add3A_718, %add3A_142 : vector<64x8xf32>
    %sub3A_763 = arith.subf %sub3A_762, %select_n3A_117 : vector<64x8xf32>
    %mul3A_764 = arith.mulf %sub3A_763, %sub3A_763 : vector<64x8xf32>
    %reduce_sum3A_765 = arith.constant dense<0.000000e+00> : vector<64xf32>
    %reduce_sum3A_766 = vector.multi_reduction <add>, %mul3A_764, %reduce_sum3A_765 [1] : vector<64x8xf32> to vector<64xf32>
    %broadcast_in_dim3A_767 = vector.shape_cast %reduce_sum3A_766 : vector<64xf32> to vector<64x1xf32>
    %mul3A_768 = arith.mulf %broadcast_in_dim3A_767, %reshape3A : vector<64x1xf32>
    %reduce_sum3A_769 = vector.shape_cast %mul3A_768 : vector<64x1xf32> to vector<1x64x1xf32>
    %reduce_sum3A_770 = arith.constant dense<0.000000e+00> : vector<1xf32>
    %reduce_sum3A_771 = vector.multi_reduction <add>, %reduce_sum3A_769, %reduce_sum3A_770 [1, 2] : vector<1x64x1xf32> to vector<1xf32>
    %reduce_sum3A_772 = vector.shape_cast %reduce_sum3A_771 : vector<1xf32> to vector<1x1x1xf32>
    %reduce_sum3A_773 = vector.extract %reduce_sum3A_772[0, 0, 0] : f32 from vector<1x1x1xf32>
    %sub3A_774 = arith.subf %add3A_761, %add3A_155 : vector<64x16xf32>
    %sub3A_775 = arith.subf %sub3A_774, %select_n3A_129 : vector<64x16xf32>
    %mul3A_776 = arith.mulf %sub3A_775, %sub3A_775 : vector<64x16xf32>
    %reduce_sum3A_777 = arith.constant dense<0.000000e+00> : vector<64xf32>
    %reduce_sum3A_778 = vector.multi_reduction <add>, %mul3A_776, %reduce_sum3A_777 [1] : vector<64x16xf32> to vector<64xf32>
    %broadcast_in_dim3A_779 = vector.shape_cast %reduce_sum3A_778 : vector<64xf32> to vector<64x1xf32>
    %mul3A_780 = arith.mulf %broadcast_in_dim3A_779, %reshape3A : vector<64x1xf32>
    %reduce_sum3A_781 = vector.shape_cast %mul3A_780 : vector<64x1xf32> to vector<1x64x1xf32>
    %reduce_sum3A_782 = arith.constant dense<0.000000e+00> : vector<1xf32>
    %reduce_sum3A_783 = vector.multi_reduction <add>, %reduce_sum3A_781, %reduce_sum3A_782 [1, 2] : vector<1x64x1xf32> to vector<1xf32>
    %reduce_sum3A_784 = vector.shape_cast %reduce_sum3A_783 : vector<1xf32> to vector<1x1x1xf32>
    %reduce_sum3A_785 = vector.extract %reduce_sum3A_784[0, 0, 0] : f32 from vector<1x1x1xf32>
    %reduce_sum3A_786 = vector.shape_cast %reshape3A : vector<64x1xf32> to vector<1x64x1xf32>
    %reduce_sum3A_787 = arith.constant dense<0.000000e+00> : vector<1xf32>
    %reduce_sum3A_788 = vector.multi_reduction <add>, %reduce_sum3A_786, %reduce_sum3A_787 [1, 2] : vector<1x64x1xf32> to vector<1xf32>
    %reduce_sum3A_789 = vector.shape_cast %reduce_sum3A_788 : vector<1xf32> to vector<1x1x1xf32>
    %reduce_sum3A_790 = vector.extract %reduce_sum3A_789[0, 0, 0] : f32 from vector<1x1x1xf32>
    %iota3A_791 = tpu.iota {dimensions = array<i32: 1>} : vector<1x128xi32>
    %eq3A_792 = arith.constant 0 : i32
    %eq3A_793 = vector.broadcast %eq3A_792 : i32 to vector<1x128xi32>
    %eq3A_794 = arith.cmpi eq, %iota3A_791, %eq3A_793 : vector<1x128xi32>
    %jit3A_795 = arith.constant 0.000000e+00 : f32
    %broadcast_in_dim3A_796 = vector.broadcast %reduce_sum3A_773 : f32 to vector<1x128xf32>
    %broadcast_in_dim3A_797 = vector.broadcast %jit3A_795 : f32 to vector<1x128xf32>
    %select_n3A_798 = arith.select %eq3A_794, %broadcast_in_dim3A_796, %broadcast_in_dim3A_797 : vector<1x128xi1>, vector<1x128xf32>
    %eq3A_799 = arith.constant 1 : i32
    %eq3A_800 = vector.broadcast %eq3A_799 : i32 to vector<1x128xi32>
    %eq3A_801 = arith.cmpi eq, %iota3A_791, %eq3A_800 : vector<1x128xi32>
    %jit3A_802 = arith.constant 0.000000e+00 : f32
    %broadcast_in_dim3A_803 = vector.broadcast %reduce_sum3A_785 : f32 to vector<1x128xf32>
    %broadcast_in_dim3A_804 = vector.broadcast %jit3A_802 : f32 to vector<1x128xf32>
    %select_n3A_805 = arith.select %eq3A_801, %broadcast_in_dim3A_803, %broadcast_in_dim3A_804 : vector<1x128xi1>, vector<1x128xf32>
    %add3A_806 = arith.addf %select_n3A_798, %select_n3A_805 : vector<1x128xf32>
    %eq3A_807 = arith.constant 2 : i32
    %eq3A_808 = vector.broadcast %eq3A_807 : i32 to vector<1x128xi32>
    %eq3A_809 = arith.cmpi eq, %iota3A_791, %eq3A_808 : vector<1x128xi32>
    %jit3A_810 = arith.constant 0.000000e+00 : f32
    %broadcast_in_dim3A_811 = vector.broadcast %reduce_sum3A_790 : f32 to vector<1x128xf32>
    %broadcast_in_dim3A_812 = vector.broadcast %jit3A_810 : f32 to vector<1x128xf32>
    %select_n3A_813 = arith.select %eq3A_809, %broadcast_in_dim3A_811, %broadcast_in_dim3A_812 : vector<1x128xi1>, vector<1x128xf32>
    %add3A_814 = arith.addf %add3A_806, %select_n3A_813 : vector<1x128xf32>
    %reshape3A_815 = vector.shape_cast %add3A_814 : vector<1x128xf32> to vector<1x1x128xf32>
    %swap3A_816 = arith.constant 0 : index
    %swap3A_817 = arith.constant 0 : index
    %swap3A_818 = arith.constant 0 : index
    %swap3A_819 = vector.load %arg32[%swap3A_816, %swap3A_817, %swap3A_818] : memref<1x1x128xf32, #tpu.memory_space<vmem>>, vector<1x1x128xf32>
    tpu.vector_store %arg32[%swap3A_816, %swap3A_817, %swap3A_818], %reshape3A_815 {strides = array<i32>} : memref<1x1x128xf32, #tpu.memory_space<vmem>>, vector<1x1x128xf32>,
    return
  }
  func.func @transform_0(%arg0: i32) -> i32 {
    %c0_i32 = arith.constant 0 : i32
    %c0_i32_0 = arith.constant 0 : i32
    return %c0_i32 : i32
  }
  func.func @transform_1(%arg0: i32) -> i32 {
    %c0_i32 = arith.constant 0 : i32
    %c0_i32_0 = arith.constant 0 : i32
    return %c0_i32 : i32
  }
  func.func @transform_2(%arg0: i32) -> i32 {
    %c0_i32 = arith.constant 0 : i32
    %c0_i32_0 = arith.constant 0 : i32
    return %c0_i32 : i32
  }
  func.func @transform_3(%arg0: i32) -> (i32, i32) {
    %c0_i32 = arith.constant 0 : i32
    %c0_i32_0 = arith.constant 0 : i32
    %c0_i32_1 = arith.constant 0 : i32
    return %c0_i32, %c0_i32_0 : i32, i32
  }
  func.func @transform_4(%arg0: i32) -> (i32, i32) {
    %c0_i32 = arith.constant 0 : i32
    %c0_i32_0 = arith.constant 0 : i32
    %c0_i32_1 = arith.constant 0 : i32
    return %c0_i32, %c0_i32_0 : i32, i32
  }
  func.func @transform_5(%arg0: i32) -> (i32, i32) {
    %c0_i32 = arith.constant 0 : i32
    %c0_i32_0 = arith.constant 0 : i32
    %c0_i32_1 = arith.constant 0 : i32
    return %c0_i32, %c0_i32_0 : i32, i32
  }
  func.func @transform_6(%arg0: i32) -> (i32, i32) {
    %c0_i32 = arith.constant 0 : i32
    %c0_i32_0 = arith.constant 0 : i32
    %c0_i32_1 = arith.constant 0 : i32
    return %c0_i32, %c0_i32_0 : i32, i32
  }
  func.func @transform_7(%arg0: i32) -> (i32, i32) {
    %c0_i32 = arith.constant 0 : i32
    %c0_i32_0 = arith.constant 0 : i32
    %c0_i32_1 = arith.constant 0 : i32
    return %c0_i32, %c0_i32_0 : i32, i32
  }
  func.func @transform_8(%arg0: i32) -> (i32, i32, i32) {
    %c0_i32 = arith.constant 0 : i32
    %c0_i32_0 = arith.constant 0 : i32
    %c0_i32_1 = arith.constant 0 : i32
    return %arg0, %c0_i32, %c0_i32_0 : i32, i32, i32
  }
  func.func @transform_9(%arg0: i32) -> (i32, i32, i32) {
    %c0_i32 = arith.constant 0 : i32
    %c0_i32_0 = arith.constant 0 : i32
    %c0_i32_1 = arith.constant 0 : i32
    return %arg0, %c0_i32, %c0_i32_0 : i32, i32, i32
  }
  func.func @transform_10(%arg0: i32) -> (i32, i32) {
    %c0_i32 = arith.constant 0 : i32
    %c0_i32_0 = arith.constant 0 : i32
    %c0_i32_1 = arith.constant 0 : i32
    return %c0_i32, %c0_i32_0 : i32, i32
  }
  func.func @transform_11(%arg0: i32) -> (i32, i32) {
    %c0_i32 = arith.constant 0 : i32
    %c0_i32_0 = arith.constant 0 : i32
    %c0_i32_1 = arith.constant 0 : i32
    return %c0_i32, %c0_i32_0 : i32, i32
  }
  func.func @transform_12(%arg0: i32) -> (i32, i32) {
    %c0_i32 = arith.constant 0 : i32
    %c0_i32_0 = arith.constant 0 : i32
    %c0_i32_1 = arith.constant 0 : i32
    return %c0_i32, %c0_i32_0 : i32, i32
  }
  func.func @transform_13(%arg0: i32) -> (i32, i32) {
    %c0_i32 = arith.constant 0 : i32
    %c0_i32_0 = arith.constant 0 : i32
    %c0_i32_1 = arith.constant 0 : i32
    return %c0_i32, %c0_i32_0 : i32, i32
  }
  func.func @transform_14(%arg0: i32) -> (i32, i32) {
    %c0_i32 = arith.constant 0 : i32
    %c0_i32_0 = arith.constant 0 : i32
    %c0_i32_1 = arith.constant 0 : i32
    return %c0_i32, %c0_i32_0 : i32, i32
  }
  func.func @transform_15(%arg0: i32) -> (i32, i32) {
    %c0_i32 = arith.constant 0 : i32
    %c0_i32_0 = arith.constant 0 : i32
    %c0_i32_1 = arith.constant 0 : i32
    return %c0_i32, %c0_i32_0 : i32, i32
  }
  func.func @transform_16(%arg0: i32) -> (i32, i32) {
    %c0_i32 = arith.constant 0 : i32
    %c0_i32_0 = arith.constant 0 : i32
    %c0_i32_1 = arith.constant 0 : i32
    return %c0_i32, %c0_i32_0 : i32, i32
  }
  func.func @transform_17(%arg0: i32) -> (i32, i32, i32) {
    %c0_i32 = arith.constant 0 : i32
    %c0_i32_0 = arith.constant 0 : i32
    %c0_i32_1 = arith.constant 0 : i32
    %c0_i32_2 = arith.constant 0 : i32
    return %c0_i32, %c0_i32_0, %c0_i32_1 : i32, i32, i32
  }
  func.func @transform_18(%arg0: i32) -> (i32, i32, i32) {
    %c0_i32 = arith.constant 0 : i32
    %c0_i32_0 = arith.constant 0 : i32
    %c0_i32_1 = arith.constant 0 : i32
    %c0_i32_2 = arith.constant 0 : i32
    return %c0_i32, %c0_i32_0, %c0_i32_1 : i32, i32, i32
  }
  func.func @transform_19(%arg0: i32) -> (i32, i32, i32) {
    %c0_i32 = arith.constant 0 : i32
    %c0_i32_0 = arith.constant 0 : i32
    %c0_i32_1 = arith.constant 0 : i32
    %c0_i32_2 = arith.constant 0 : i32
    return %c0_i32, %c0_i32_0, %c0_i32_1 : i32, i32, i32
  }
  func.func @transform_20(%arg0: i32) -> (i32, i32, i32) {
    %c0_i32 = arith.constant 0 : i32
    %c0_i32_0 = arith.constant 0 : i32
    %c0_i32_1 = arith.constant 0 : i32
    %c0_i32_2 = arith.constant 0 : i32
    return %c0_i32, %c0_i32_0, %c0_i32_1 : i32, i32, i32
  }
  func.func @transform_21(%arg0: i32) -> (i32, i32, i32) {
    %c0_i32 = arith.constant 0 : i32
    %c0_i32_0 = arith.constant 0 : i32
    %c0_i32_1 = arith.constant 0 : i32
    %c0_i32_2 = arith.constant 0 : i32
    return %c0_i32, %c0_i32_0, %c0_i32_1 : i32, i32, i32
  }
  func.func @transform_22(%arg0: i32) -> (i32, i32, i32) {
    %c0_i32 = arith.constant 0 : i32
    %c0_i32_0 = arith.constant 0 : i32
    %c0_i32_1 = arith.constant 0 : i32
    %c0_i32_2 = arith.constant 0 : i32
    return %c0_i32, %c0_i32_0, %c0_i32_1 : i32, i32, i32
  }
  func.func @transform_23(%arg0: i32) -> (i32, i32, i32) {
    %c0_i32 = arith.constant 0 : i32
    %c0_i32_0 = arith.constant 0 : i32
    %c0_i32_1 = arith.constant 0 : i32
    %c0_i32_2 = arith.constant 0 : i32
    return %c0_i32, %c0_i32_0, %c0_i32_1 : i32, i32, i32
  }
  func.func @transform_24(%arg0: i32) -> (i32, i32, i32) {
    %c0_i32 = arith.constant 0 : i32
    %c0_i32_0 = arith.constant 0 : i32
    %c0_i32_1 = arith.constant 0 : i32
    %c0_i32_2 = arith.constant 0 : i32
    return %c0_i32, %c0_i32_0, %c0_i32_1 : i32, i32, i32
  }
  func.func @transform_25(%arg0: i32) -> (i32, i32, i32) {
    %c0_i32 = arith.constant 0 : i32
    %c0_i32_0 = arith.constant 0 : i32
    %c0_i32_1 = arith.constant 0 : i32
    %c0_i32_2 = arith.constant 0 : i32
    return %c0_i32, %c0_i32_0, %c0_i32_1 : i32, i32, i32
  }
  func.func @transform_26(%arg0: i32) -> (i32, i32, i32) {
    %c0_i32 = arith.constant 0 : i32
    %c0_i32_0 = arith.constant 0 : i32
    %c0_i32_1 = arith.constant 0 : i32
    %c0_i32_2 = arith.constant 0 : i32
    return %c0_i32, %c0_i32_0, %c0_i32_1 : i32, i32, i32
  }
  func.func @transform_27(%arg0: i32) -> (i32, i32, i32) {
    %c0_i32 = arith.constant 0 : i32
    %c0_i32_0 = arith.constant 0 : i32
    %c0_i32_1 = arith.constant 0 : i32
    %c0_i32_2 = arith.constant 0 : i32
    return %c0_i32, %c0_i32_0, %c0_i32_1 : i32, i32, i32
  }
  func.func @transform_28(%arg0: i32) -> (i32, i32, i32) {
    %c0_i32 = arith.constant 0 : i32
    %c0_i32_0 = arith.constant 0 : i32
    %c0_i32_1 = arith.constant 0 : i32
    %c0_i32_2 = arith.constant 0 : i32
    return %c0_i32, %c0_i32_0, %c0_i32_1 : i32, i32, i32
  }
  func.func @transform_29(%arg0: i32) -> (i32, i32) {
    %c0_i32 = arith.constant 0 : i32
    %c0_i32_0 = arith.constant 0 : i32
    %c0_i32_1 = arith.constant 0 : i32
    return %c0_i32, %c0_i32_0 : i32, i32
  }
  func.func @transform_30(%arg0: i32) -> (i32, i32) {
    %c0_i32 = arith.constant 0 : i32
    %c0_i32_0 = arith.constant 0 : i32
    %c0_i32_1 = arith.constant 0 : i32
    return %c0_i32, %c0_i32_0 : i32, i32
  }
  func.func @transform_31(%arg0: i32) -> (i32, i32, i32) {
    %c0_i32 = arith.constant 0 : i32
    %c0_i32_0 = arith.constant 0 : i32
    %c0_i32_1 = arith.constant 0 : i32
    return %arg0, %c0_i32, %c0_i32_0 : i32, i32, i32
  }
}

</mosaic_0001>

<sc_bundles>
// kernel: gather_offload_async_start.1
scs
__scs_entry_jumppad:
0x0: {  	(pc) =	sbr.rel $0x88, $3  }
0x1: {  	(tag) =	ssettag $0x0;
	lr =	simm.s32 $0x1  }
0x2: {  	[smem:$0x3F88] =	sst lr;
	_ =	strace $0xD0000000  }
0x3: {  	_ = 	snop  }
0x4: {  	_ = 	snop  }
0x5: {  	_ = 	snop  }
0x6: {  	_ = 	snop  }
0x7: {  	_ = 	snop  }
__scs_overlays_trampoline_lowered:
0x8: {  	[smem:$0x3F97] =	sst s0  }
0x9: {  	[smem:$0x3F98] =	sst s1  }
0xa: {  	[smem:$0x3F99] =	sst s2  }
0xb: {  	[smem:$0x3F9A] =	sst s3  }
0xc: {  	[smem:$0x3F9B] =	sst s4  }
0xd: {  	[smem:$0x3F9C] =	sst s5  }
0xe: {  	[smem:$0x3F9D] =	sst s6  }
0xf: {  	[smem:$0x3F9E] =	sst s7  }
0x10: {  	[smem:$0x3F9F] =	sst s8  }
0x11: {  	[smem:$0x3FA0] =	sst s9;
	s0 =	simm.s32 @!p0 $0x0  }
0x12: {  	s1 =	sld [smem:$0x3F86];
	s0 =	simm.s32 @p0 $0x1  }
0x13: {  	[smem:$0x3FA1] =	sst s0;
	s0 =	simm.s32 @!p1 $0x0  }
0x14: {  	s2 =	sld [smem:$0x3F85];
	s0 =	simm.s32 @p1 $0x1  }
0x15: {  	[smem:$0x3FA2] =	sst s0;
	s0 =	simm.s32 @!p2 $0x0  }
0x16: {  	s3 =	sld [smem:$0x3FDB];
	s0 =	simm.s32 @p2 $0x1  }
0x17: {  	s4 =	simm.s32 $0x1BF5;
	[smem:$0x3FA4] =	sst s0  }
0x18: {  	s0 =	sld [smem:$0x3F87];
	_ =	swait.ge [sflag:s4], $0x0  }
0x19: {  	s7 =	sld [smem:$0x3F88]  }
0x1a: {  	s8 =	sadd.s32 $0xFFFFE003, lr  }
0x1b: {  	s9 =	sadd.s32 $0xFFFFFEF7, lr;
	s5 =	simm.s32 $0xFFFFFFFF;
	p2 =	slt.u32 s8, $0xFFFFF086  }
0x1c: {  	p1 =	slt.u32 s9, $0xF7A;
	s5 =	simm.s32 @!p2 $0x0  }
0x1d: {  	s5 =	simm.s32 @p1 $0x1;
	p0 =	seq.s32 s7, s2  }
0x1e: {  	s7 =	smul.u32 @!p0 $0xF7A, s2;
	p2 =	seq.s32 @!p0 s5, $0x0  }
0x1f: {  	s9 =	smul.u32 $0xF7A, s1;
	s8 =	simm.s32 @!p0 $0x1BF5;
	p2 =	por !p2, p0  }
0x20: {  	[sflag:s8] =	ssyncset.s32 @!p0 $0xFFFFF086;
	s6 =	sadd.s32 @!p0 s3, s7;
	s7 =	simm.s32 @!p0 $0x108  }
0x21: {  	s3 =	sadd.s32 s3, s9;
	s6 =	sadd.s32 @!p0 $0x88, s6;
	s7 =	simm.s32 @p2 $0x1082  }
0x22: {  	[simem:s7], [sflag:s8] =	dma.local @!p0 [hbm:s6], $0xF7A  }
0x23: {  	s9 =	sor.u32 $0xD0000000, s2;
	s6 =	simm.s32 $0x108;
	_ =	swait.ge @!p0 [sflag:s8], $0x0  }
0x24: {  	s3 =	sadd.s32 $0x88, s3;
	s6 =	simm.s32 @!p1 $0x1082;
	[sflag:s4] =	ssyncset.s32 $0xFFFFF086  }
0x25: {  	[simem:s6], [sflag:s4] =	dma.local [hbm:s3], $0xF7A  }
0x26: {  	[smem:$0x3F88] =	sst s1;
	(tag) =	ssettag s2;
	_ =	strace s9  }
0x27: {  	s1 =	sld [smem:$0x3F98]  }
0x28: {  	s2 =	sld [smem:$0x3F99]  }
0x29: {  	s4 =	sld [smem:$0x3F9B]  }
0x2a: {  	p0 =	seq.s32 s5, $0x0;
	s5 =	sld [smem:$0x3F9C]  }
0x2b: {  	s6 =	sld [smem:$0x3F9D]  }
0x2c: {  	s7 =	sld [smem:$0x3F9E]  }
0x2d: {  	s3 =	simm.s32 $0x108;
	s8 =	sld [smem:$0x3F9F]  }
0x2e: {  	s3 =	simm.s32 @!p0 $0x1082;
	s9 =	sld [smem:$0x3FA0]  }
0x2f: {  	lr =	sadd.s32 s0, s3;
	s0 =	sld [smem:$0x3F97]  }
0x30: {  	s3 =	sld [smem:$0x3F9A]  }
0x31: {  	[smem:$0x3FA3] =	sst s10  }
0x32: {  	s10 =	sld [smem:$0x3FA1];
	_ =	sdelay $0x3  }
0x33: {  	p0 =	seq.s32 s10, $0x1;
	s10 =	sld [smem:$0x3FA3];
	_ =	sdelay $0x3  }
0x34: {  	[smem:$0x3FA3] =	sst s10  }
0x35: {  	s10 =	sld [smem:$0x3FA2];
	_ =	sdelay $0x3  }
0x36: {  	p1 =	seq.s32 s10, $0x1;
	s10 =	sld [smem:$0x3FA3];
	_ =	sdelay $0x3  }
0x37: {  	[smem:$0x3FA3] =	sst s10  }
0x38: {  	s10 =	sld [smem:$0x3FA4]  }
0x39: {  	_ = 	snop;
	(pc) =	sbr.ind lr, $3  }
0x3a: {  	_ = 	snop  }
0x3b: {  	_ = 	snop  }
0x3c: {  	p2 =	seq.s32 s10, $0x1;
	s10 =	sld [smem:$0x3FA3]  }
0x3d: {  	_ =	shalt  }
0x3e: {  	_ =	shalt  }
0x3f: {  	_ =	shalt  }
0x40: {  	_ =	shalt  }
0x41: {  	_ =	shalt  }
0x42: {  	_ =	shalt  }
0x43: {  	_ =	shalt  }
0x44: {  	_ =	shalt  }
0x45: {  	_ =	shalt  }
0x46: {  	_ =	shalt  }
0x47: {  	_ =	shalt  }
0x48: {  	_ =	shalt  }
0x49: {  	_ =	shalt  }
0x4a: {  	_ =	shalt  }
0x4b: {  	_ =	shalt  }
0x4c: {  	_ =	shalt  }
0x4d: {  	_ =	shalt  }
0x4e: {  	_ =	shalt  }
0x4f: {  	_ =	shalt  }
0x50: {  	_ =	shalt  }
0x51: {  	_ =	shalt  }
0x52: {  	_ =	shalt  }
0x53: {  	_ =	shalt  }
0x54: {  	_ =	shalt  }
0x55: {  	_ =	shalt  }
0x56: {  	_ =	shalt  }
0x57: {  	_ =	shalt  }
0x58: {  	_ =	shalt  }
0x59: {  	_ =	shalt  }
0x5a: {  	_ =	shalt  }
0x5b: {  	_ =	shalt  }
0x5c: {  	_ =	shalt  }
0x5d: {  	_ =	shalt  }
0x5e: {  	_ =	shalt  }
0x5f: {  	_ =	shalt  }
0x60: {  	_ =	shalt  }
0x61: {  	_ =	shalt  }
0x62: {  	_ =	shalt  }
0x63: {  	_ =	shalt  }
0x64: {  	_ =	shalt  }
0x65: {  	_ =	shalt  }
0x66: {  	_ =	shalt  }
0x67: {  	_ =	shalt  }
0x68: {  	_ =	shalt  }
0x69: {  	_ =	shalt  }
0x6a: {  	_ =	shalt  }
0x6b: {  	_ =	shalt  }
0x6c: {  	_ =	shalt  }
0x6d: {  	_ =	shalt  }
0x6e: {  	_ =	shalt  }
0x6f: {  	_ =	shalt  }
0x70: {  	_ =	shalt  }
0x71: {  	_ =	shalt  }
0x72: {  	_ =	shalt  }
0x73: {  	_ =	shalt  }
0x74: {  	_ =	shalt  }
0x75: {  	_ =	shalt  }
0x76: {  	_ =	shalt  }
0x77: {  	_ =	shalt  }
0x78: {  	_ =	shalt  }
0x79: {  	_ =	shalt  }
0x7a: {  	_ =	shalt  }
0x7b: {  	_ =	shalt  }
0x7c: {  	_ =	shalt  }
0x7d: {  	_ =	shalt  }
0x7e: {  	_ =	shalt  }
0x7f: {  	_ =	shalt  }
0x80: {  	_ =	shalt  }
0x81: {  	_ =	shalt  }
0x82: {  	_ =	shalt  }
0x83: {  	_ =	shalt  }
0x84: {  	_ =	shalt  }
0x85: {  	_ =	shalt  }
0x86: {  	_ =	shalt  }
0x87: {  	_ =	shalt  }
.Lfunc_end0:
.L_simem_size_0:
called_computation.1_lowered:
.L_overlay_start_0:
0x88: {  	s2 =	sld [smem:$0x3FD9]  }
0x89: {  	s3 =	sld [smem:$0x3FFE];
	_ =	sdelay $0x1  }
0x8a: {  	s1 =	srdreg.scid  }
0x8b: {  	s0 =	sand.u32 $0x1, s1  }
0x8c: {  	s16 =	sshll.u32 s0, $0xA;
	s2 =	sadd.s32 s3, s2  }
0x8d: {  	s2 =	sadd.s32 s2, s16  }
0x8e: {  	[smem:$0x3FAF] =	sst s2  }
0x8f: {  	_ = 	snop  }
0x90: {  	(tm) =	ssettm $0x1  }
0x91: {  	s17 =	sld [smem:$0x3FFB];
	_ =	sdelay $0x3  }
0x92: {  	_ =	strace s17  }
0x93: {  	s2 =	sld [smem:$0x3FFC];
	_ =	sdelay $0x3  }
0x94: {  	_ =	strace s2  }
0x95: {  	s2 =	sld [smem:$0x3FFD];
	_ =	sdelay $0x3  }
0x96: {  	_ =	strace s2  }
0x97: {  	_ =	strace $0x8FFFFFFF  }
0x98: {  	s18 =	sld [smem:$0x3FDB];
	_ =	sdelay $0x1  }
0x99: {  	s19 =	simm.s32 $_scs_section_size  }
0x9a: {  	s4 =	simm.s32 $_size__tile_overlayer_lowered;
	s5 =	simm.s32 $_tile_overlayer_lowered  }
0x9b: {  	s22 =	simm.s32 $0x1BFF;
	s21 =	sshll.u32 s5, $0x1;
	s2 =	sadd.s32 s19, s18  }
0x9c: {  	s6 =	simm.s32 $0x0;
	s20 =	sshll.u32 s4, $0x1;
	s4 =	sadd.s32 s21, s2  }
0x9d: {  	[timem:s6], [sflag:s22] =	dma.local [hbm:s4], s20  }
0x9e: {  	_ =	swait.ge [sflag:s22], s20  }
0x9f: {  	s3 =	ssub.s32 $0x0, s20;
	[sflag:s22] =	ssyncset.done $0x0  }
0xa0: {  	[sflag:s22] =	ssyncadd.s32 s3;
	_ =	sdelay $0x1  }
0xa1: {  	s23 =	simm.s32 $0x1B8B  }
0xa2: {  	_ =	swait.ge [sflag:s23], $0x1  }
0xa3: {  	[sflag:s23] =	ssyncset.done $0x0  }
0xa4: {  	s25 =	simm.s32 $0x1B8E;
	s24 =	sld [smem:$0x3FFE];
	[sflag:s23] =	ssyncadd.s32 $0xFFFFFFFF  }
0xa5: {  	s26 =	simm.s32 $execute0_lowered;
	[smem:$0x3FD2] =	sst s25  }
0xa6: {  	s4 =	sshll.u32 s26, $0x1;
	_ =	strace $0x80000046;
	[dreg:$0x1] =	wrdreg $0xFFFFFFFF  }
0xa7: {  	s28 =	simm.s32 $_size_execute0_lowered;
	s2 =	sadd.s32 s2, s4;
	[dreg:$0x0] =	wrdreg $0x0  }
0xa8: {  	s4 =	sshll.u32 s28, $0x1;
	[dreg:$0x2] =	wrdreg s2  }
0xa9: {  	[dreg:$0x3] =	wrdreg s4  }
0xaa: {  	[dreg:$0x4] =	wrdreg $0xC0  }
0xab: {  	_ =	task [dreg:s6], $0x5FFFF  }
0xac: {  	[dreg:$0x1] =	wrdreg $0xFFFFFFFF  }
0xad: {  	[dreg:$0x0] =	wrdreg $0x60  }
0xae: {  	[dreg:$0x2] =	wrdreg s24  }
0xaf: {  	[dreg:$0x3] =	wrdreg $0x9  }
0xb0: {  	_ =	task.clear_ibuf [dreg:s6], $0x4FFFF;
	_ =	strace $0x90000046  }
0xb1: {  	s29 =	simm.s32 $0x9;
	_ =	strace $0x80000048  }
0xb2: {  	_ =	swait.ge [sflag:s29], $0x1  }
0xb3: {  	[sflag:s29] =	ssyncadd.s32 $0xFFFFFFFF  }
0xb4: {  	_ =	strace $0x90000048  }
0xb5: {  	_ =	sfence  }
0xb6: {  	s30 =	sld [smem:$0x0];
	_ =	sdelay $0x2  }
0xb7: {  	s31 =	sshll.u32 s1, $0xD;
	s1 =	sshrl.u32 s1, $0x2  }
0xb8: {  	s3 =	sand.u32 $0x4000, s31;
	s1 =	sadd.s32 s1, s30  }
0xb9: {  	s0 =	sor.u32 s3, s0;
	s1 =	sshll.u32 s1, $0x11  }
0xba: {  	s0 =	sor.u32 s1, s0  }
0xbb: {  	s0 =	sadd.s32 $0x8F2B, s0  }
0xbc: {  	[sflag:s0] =	ssyncadd.remote.s32 $0x1  }
0xbd: {  	_ =	sfence.sel $0xFFFF  }
0xbe: {  	[dreg:$0x0] =	wrdreg $0xFFFFFFFF;
	(pc) =	sbr.abs _section_cstart, $3  }
0xbf: {  	[dreg:$0x1] =	wrdreg $0xFFFFFFFF  }
0xc0: {  	_ =	task.clear_ibuf [dreg:s6], $0x2FFFF;
	_ =	strace $0x9FFFFFFF  }
0xc1: {  	(tm) =	ssettm $0x7FFFFFFF  }
tec
execute0_lowered:
.L_overlay_start_1:
0x0: {  	(tag) =	ssettag $0x1  }
0x1: {  	s1 =	srdreg.scid;
	s0 =	stileid.u32  }
0x2: {  	s6 =	rddreg [dreg:$0x0];
	s7 =	simm.s32 $0x1;
	s1 =	sshll.u32 s1, $0x5  }
0x3: {  	s30 =	simm.s32 $0x2;
	s2 =	sshll.u32 s0, $0x6;
	s3 =	sand.u32 $0x20, s1  }
0x4: {  	s31 =	simm.s32 $0x3;
	s11 =	simm.s32 $0x0;
	s2 =	sor.u32 s2, s3  }
0x5: {  	s9 =	simm.s32 $0x0;
	s4 =	sadd.s32 $0x4200, s6;
	s5 =	ssub.s32 $0x800, s2  }
0x6: {  	s1 =	rddreg [dreg:$0x1];
	_ =	strace $0x80000047;
	s8 =	sand.u32 $0x3E0, s5  }
0x7: {  	s3 =	sadd.s32 $0x4400, s6;
	[sflag:s7] =	ssyncpa.u1 $0x0;
	p0 =	sne.s32 s8, $0x0  }
0x8: {  	s6 =	sadd.s32 $0x3C00, s6;
	s5 =	sshrl.u32 s5, $0xA;
	s7 =	simm.s32 @!p0 $0x0  }
0x9: {  	[sflag:s30] =	ssyncpa.u1 $0x0;
	s10 =	smov.u32 s2;
	s5 =	sadd.s32 s7, s5  }
0xa: {  	[sflag:s31] =	ssyncpa.u1 $0x0;
	s8 =	simm.s32 $0x0;
	s7 =	sadd.s32 $0x1, s5  }
.LBB2_1:
0xb: {  	p0 =	sge.u32 s9, s5  }
0xc: {  	s31 =	sadd.s32 $0xFFFFFFFF, s9;
	s12 =	sxor.u32 @!p0 $0xFFFFFFFF, s8;
	s13 =	sshrl.u32 @!p0 s10, $0x3  }
0xd: {  	s14 =	sand.u32 @!p0 $0x7, s10;
	s12 =	sand.u32 @!p0 $0x20, s12;
	s13 =	sadd.s32 @!p0 s4, s13  }
0xe: {  	[tilespmem:s12], [sflag:$0x2] =	stream.linear.gather @!p0 [hbm4b:s13+s14], $0x20, $0x38;
	[tilespmem:$0x80] =	vst v63  }
0xf: {  	p0 =	sge.u32 s31, s5  }
0x10: {  	s12 =	simm.s32 @!p0 $0x2  }
0x11: {  	_ =	swait.ge @!p0 [sflag:s12], $0x20  }
0x12: {  	[sflag:s12] =	ssyncset.done @!p0 $0x0  }
0x13: {  	[sflag:s12] =	ssyncadd.s32 @!p0 $0xFFFFFFE0;
	s12 =	sand.u32 @!p0 $0x20, s8  }
0x14: {  	(ifvalue) =	ssetifvalue @!p0 $0x7FFFFFFF;
	v0 =	vld.msk @!p0 [tilespmem:s12+$0x0 ss:$0x1], $0xffff;
	_ =	sdelay $0x4  }
0x15: {  	vm0 =	vgt.s32 @!p0 v0, $0x0  }
0x16: {  	v0 =	vnsel @!p0 vm0, $0x0, v0  }
0x17: {  	v0 =	vmin.u32 @!p0 v0, $0x7DF;
	_ =	sdelay $0x2  }
0x18: {  	s14 =	simm.s32 @!p0 $0x0  }
0x19: {  	s13 =	sor.u32 @!p0 $0x40, s12;
	(ifvalue) =	ssetifvalue @!p0 $0x7FFFFFFF;
	s15 =	sor.u32 @!p0 $0x10, s12;
	vm0 =	vmmov @!p0 $0xffff  }
0x1a: {  	[tilespmem:s13], [sflag:$0x1] =	stream.indirect_vreg.gather @!p0 [hbm4b:s3+s14], $0x1, v0, vm0, $0x4038;
	[tilespmem:$0x80] =	vst v63  }
0x1b: {  	v0 =	vld.msk @!p0 [tilespmem:s15+$0x0 ss:$0x1], $0xffff;
	_ =	sdelay $0x4  }
0x1c: {  	vm1 =	vgt.s32 @!p0 v0, $0x0  }
0x1d: {  	v0 =	vnsel @!p0 vm1, $0x0, v0  }
0x1e: {  	v0 =	vmin.u32 @!p0 v0, $0x7DF;
	_ =	sdelay $0x3  }
0x1f: {  	s12 =	sor.u32 @!p0 $0x50, s12;
	(ifvalue) =	ssetifvalue @!p0 $0x7FFFFFFF  }
0x20: {  	[tilespmem:s12], [sflag:$0x1] =	stream.indirect_vreg.gather @!p0 [hbm4b:s3+s14], $0x1, v0, vm0, $0x4038;
	[tilespmem:$0x80] =	vst v63  }
0x21: {  	s12 =	simm.s32 @!p0 $0x1  }
0x22: {  	_ =	swait.ge @!p0 [sflag:s12], $0x20  }
0x23: {  	s14 =	sshrl.u32 @!p0 s11, $0x3;
	[sflag:s12] =	ssyncset.done @!p0 $0x0  }
0x24: {  	s11 =	sand.u32 @!p0 $0x7, s11;
	[sflag:s12] =	ssyncadd.s32 @!p0 $0xFFFFFFE0;
	s12 =	sadd.s32 @!p0 s6, s14  }
0x25: {  	[hbm4b:s12+s11] =	stream.linear.scatter @!p0 [tilespmem:s13], [sflag:$0x3], $0x20, $0x38;
	[tilespmem:$0x80] =	vst v63  }
0x26: {  	s13 =	sadd.s32 $0x400, s10  }
0x27: {  	p1 =	sgt.s32 s13, $0x7FF  }
0x28: {  	s13 =	smov.u32 @p1 s2;
	p1 =	sne.s32 s9, s7  }
.Ltmp0:
0x29: {  	p0 =	slt.u32 s9, $0x2;
	(pc) =	sbr.rel @p1 .LBB2_1-.Ltmp0, $4  }
0x2a: {  	s12 =	simm.s32 @!p0 $0x3  }
0x2b: {  	_ =	swait.ge @!p0 [sflag:s12], $0x20  }
0x2c: {  	s8 =	sadd.s32 $0x20, s8;
	s11 =	smov.u32 s10;
	[sflag:s12] =	ssyncset.done @!p0 $0x0  }
0x2d: {  	s9 =	sadd.s32 $0x1, s9;
	s10 =	smov.u32 s13;
	[sflag:s12] =	ssyncadd.s32 @!p0 $0xFFFFFFE0  }
0x2e: {  	_ =	sfence.sel $0x180000  }
0x2f: {  	s2 =	simm.s32 $0x2;
	[bflag:$0x0] =	sbarrier.arrive $0xFFFF  }
0x30: {  	s30 =	simm.s32 $0x3;
	[sflag:s2] =	ssyncpa.u1 $0x1  }
0x31: {  	s31 =	simm.s32 $0x1;
	[sflag:s30] =	ssyncpa.u1 $0x1  }
0x32: {  	[sflag:s31] =	ssyncpa.u1 $0x1  }
0x33: {  	p0 =	sne.s32 s0, $0x0;
	_ =	strace $0x90000047  }
0x34: {  	s0 =	sadd.s32 @!p0 $0x100000, s1;
	[bflag:$0x2] =	sbarrier.arrive $0xFFFF  }
0x35: {  	[sflag:s0] =	ssyncadd.tile.s32 @!p0 $0x1;
	_ =	shalt  }
.Lfunc_end2:
_tile_overlayer_lowered:
.L_overlay_start_2:
0x36: {  	(tag) =	ssettag $0x2  }
0x37: {  	s0 =	rddreg [dreg:$0x0];
	s2 =	stileid.u32  }
0x38: {  	s1 =	rddreg [dreg:$0x1];
	p0 =	sne.s32 s2, $0x0  }
0x39: {  	s3 =	rddreg [dreg:$0x2];
	[bflag:$0x3] =	sbarrier.arrive $0xFFFF;
	s2 =	simm.s32 @!p0 $0x1C01  }
0x3a: {  	[timem:s3], [sflag:s2] =	dma.local @!p0 [hbm:s0], s1  }
0x3b: {  	s0 =	simm.s32 @!p0 $0x1  }
0x3c: {  	_ =	swait.ge @!p0 [sflag:s0], s1  }
0x3d: {  	s1 =	ssub.s32 @!p0 $0x0, s1;
	[sflag:s0] =	ssyncset.done @!p0 $0x0  }
0x3e: {  	[sflag:s0] =	ssyncadd.s32 @!p0 s1  }
0x3f: {  	[bflag:$0x3] =	sbarrier.arrive $0xFFFF  }
0x40: {  	_ =	shalt  }

// kernel: gather_offload_async_start
scs
__scs_entry_jumppad:
0x0: {  	(pc) =	sbr.rel $0x88, $3  }
0x1: {  	(tag) =	ssettag $0x0;
	lr =	simm.s32 $0x1  }
0x2: {  	[smem:$0x3F88] =	sst lr;
	_ =	strace $0xD0000000  }
0x3: {  	_ = 	snop  }
0x4: {  	_ = 	snop  }
0x5: {  	_ = 	snop  }
0x6: {  	_ = 	snop  }
0x7: {  	_ = 	snop  }
__scs_overlays_trampoline_lowered:
0x8: {  	[smem:$0x3F97] =	sst s0  }
0x9: {  	[smem:$0x3F98] =	sst s1  }
0xa: {  	[smem:$0x3F99] =	sst s2  }
0xb: {  	[smem:$0x3F9A] =	sst s3  }
0xc: {  	[smem:$0x3F9B] =	sst s4  }
0xd: {  	[smem:$0x3F9C] =	sst s5  }
0xe: {  	[smem:$0x3F9D] =	sst s6  }
0xf: {  	[smem:$0x3F9E] =	sst s7  }
0x10: {  	[smem:$0x3F9F] =	sst s8  }
0x11: {  	[smem:$0x3FA0] =	sst s9;
	s0 =	simm.s32 @!p0 $0x0  }
0x12: {  	s1 =	sld [smem:$0x3F86];
	s0 =	simm.s32 @p0 $0x1  }
0x13: {  	[smem:$0x3FA1] =	sst s0;
	s0 =	simm.s32 @!p1 $0x0  }
0x14: {  	s2 =	sld [smem:$0x3F85];
	s0 =	simm.s32 @p1 $0x1  }
0x15: {  	[smem:$0x3FA2] =	sst s0;
	s0 =	simm.s32 @!p2 $0x0  }
0x16: {  	s3 =	sld [smem:$0x3FDB];
	s0 =	simm.s32 @p2 $0x1  }
0x17: {  	s4 =	simm.s32 $0x1BF5;
	[smem:$0x3FA4] =	sst s0  }
0x18: {  	s0 =	sld [smem:$0x3F87];
	_ =	swait.ge [sflag:s4], $0x0  }
0x19: {  	s7 =	sld [smem:$0x3F88]  }
0x1a: {  	s8 =	sadd.s32 $0xFFFFE003, lr  }
0x1b: {  	s9 =	sadd.s32 $0xFFFFFEF7, lr;
	s5 =	simm.s32 $0xFFFFFFFF;
	p2 =	slt.u32 s8, $0xFFFFF086  }
0x1c: {  	p1 =	slt.u32 s9, $0xF7A;
	s5 =	simm.s32 @!p2 $0x0  }
0x1d: {  	s5 =	simm.s32 @p1 $0x1;
	p0 =	seq.s32 s7, s2  }
0x1e: {  	s7 =	smul.u32 @!p0 $0xF7A, s2;
	p2 =	seq.s32 @!p0 s5, $0x0  }
0x1f: {  	s9 =	smul.u32 $0xF7A, s1;
	s8 =	simm.s32 @!p0 $0x1BF5;
	p2 =	por !p2, p0  }
0x20: {  	[sflag:s8] =	ssyncset.s32 @!p0 $0xFFFFF086;
	s6 =	sadd.s32 @!p0 s3, s7;
	s7 =	simm.s32 @!p0 $0x108  }
0x21: {  	s3 =	sadd.s32 s3, s9;
	s6 =	sadd.s32 @!p0 $0x88, s6;
	s7 =	simm.s32 @p2 $0x1082  }
0x22: {  	[simem:s7], [sflag:s8] =	dma.local @!p0 [hbm:s6], $0xF7A  }
0x23: {  	s9 =	sor.u32 $0xD0000000, s2;
	s6 =	simm.s32 $0x108;
	_ =	swait.ge @!p0 [sflag:s8], $0x0  }
0x24: {  	s3 =	sadd.s32 $0x88, s3;
	s6 =	simm.s32 @!p1 $0x1082;
	[sflag:s4] =	ssyncset.s32 $0xFFFFF086  }
0x25: {  	[simem:s6], [sflag:s4] =	dma.local [hbm:s3], $0xF7A  }
0x26: {  	[smem:$0x3F88] =	sst s1;
	(tag) =	ssettag s2;
	_ =	strace s9  }
0x27: {  	s1 =	sld [smem:$0x3F98]  }
0x28: {  	s2 =	sld [smem:$0x3F99]  }
0x29: {  	s4 =	sld [smem:$0x3F9B]  }
0x2a: {  	p0 =	seq.s32 s5, $0x0;
	s5 =	sld [smem:$0x3F9C]  }
0x2b: {  	s6 =	sld [smem:$0x3F9D]  }
0x2c: {  	s7 =	sld [smem:$0x3F9E]  }
0x2d: {  	s3 =	simm.s32 $0x108;
	s8 =	sld [smem:$0x3F9F]  }
0x2e: {  	s3 =	simm.s32 @!p0 $0x1082;
	s9 =	sld [smem:$0x3FA0]  }
0x2f: {  	lr =	sadd.s32 s0, s3;
	s0 =	sld [smem:$0x3F97]  }
0x30: {  	s3 =	sld [smem:$0x3F9A]  }
0x31: {  	[smem:$0x3FA3] =	sst s10  }
0x32: {  	s10 =	sld [smem:$0x3FA1];
	_ =	sdelay $0x3  }
0x33: {  	p0 =	seq.s32 s10, $0x1;
	s10 =	sld [smem:$0x3FA3];
	_ =	sdelay $0x3  }
0x34: {  	[smem:$0x3FA3] =	sst s10  }
0x35: {  	s10 =	sld [smem:$0x3FA2];
	_ =	sdelay $0x3  }
0x36: {  	p1 =	seq.s32 s10, $0x1;
	s10 =	sld [smem:$0x3FA3];
	_ =	sdelay $0x3  }
0x37: {  	[smem:$0x3FA3] =	sst s10  }
0x38: {  	s10 =	sld [smem:$0x3FA4]  }
0x39: {  	_ = 	snop;
	(pc) =	sbr.ind lr, $3  }
0x3a: {  	_ = 	snop  }
0x3b: {  	_ = 	snop  }
0x3c: {  	p2 =	seq.s32 s10, $0x1;
	s10 =	sld [smem:$0x3FA3]  }
0x3d: {  	_ =	shalt  }
0x3e: {  	_ =	shalt  }
0x3f: {  	_ =	shalt  }
0x40: {  	_ =	shalt  }
0x41: {  	_ =	shalt  }
0x42: {  	_ =	shalt  }
0x43: {  	_ =	shalt  }
0x44: {  	_ =	shalt  }
0x45: {  	_ =	shalt  }
0x46: {  	_ =	shalt  }
0x47: {  	_ =	shalt  }
0x48: {  	_ =	shalt  }
0x49: {  	_ =	shalt  }
0x4a: {  	_ =	shalt  }
0x4b: {  	_ =	shalt  }
0x4c: {  	_ =	shalt  }
0x4d: {  	_ =	shalt  }
0x4e: {  	_ =	shalt  }
0x4f: {  	_ =	shalt  }
0x50: {  	_ =	shalt  }
0x51: {  	_ =	shalt  }
0x52: {  	_ =	shalt  }
0x53: {  	_ =	shalt  }
0x54: {  	_ =	shalt  }
0x55: {  	_ =	shalt  }
0x56: {  	_ =	shalt  }
0x57: {  	_ =	shalt  }
0x58: {  	_ =	shalt  }
0x59: {  	_ =	shalt  }
0x5a: {  	_ =	shalt  }
0x5b: {  	_ =	shalt  }
0x5c: {  	_ =	shalt  }
0x5d: {  	_ =	shalt  }
0x5e: {  	_ =	shalt  }
0x5f: {  	_ =	shalt  }
0x60: {  	_ =	shalt  }
0x61: {  	_ =	shalt  }
0x62: {  	_ =	shalt  }
0x63: {  	_ =	shalt  }
0x64: {  	_ =	shalt  }
0x65: {  	_ =	shalt  }
0x66: {  	_ =	shalt  }
0x67: {  	_ =	shalt  }
0x68: {  	_ =	shalt  }
0x69: {  	_ =	shalt  }
0x6a: {  	_ =	shalt  }
0x6b: {  	_ =	shalt  }
0x6c: {  	_ =	shalt  }
0x6d: {  	_ =	shalt  }
0x6e: {  	_ =	shalt  }
0x6f: {  	_ =	shalt  }
0x70: {  	_ =	shalt  }
0x71: {  	_ =	shalt  }
0x72: {  	_ =	shalt  }
0x73: {  	_ =	shalt  }
0x74: {  	_ =	shalt  }
0x75: {  	_ =	shalt  }
0x76: {  	_ =	shalt  }
0x77: {  	_ =	shalt  }
0x78: {  	_ =	shalt  }
0x79: {  	_ =	shalt  }
0x7a: {  	_ =	shalt  }
0x7b: {  	_ =	shalt  }
0x7c: {  	_ =	shalt  }
0x7d: {  	_ =	shalt  }
0x7e: {  	_ =	shalt  }
0x7f: {  	_ =	shalt  }
0x80: {  	_ =	shalt  }
0x81: {  	_ =	shalt  }
0x82: {  	_ =	shalt  }
0x83: {  	_ =	shalt  }
0x84: {  	_ =	shalt  }
0x85: {  	_ =	shalt  }
0x86: {  	_ =	shalt  }
0x87: {  	_ =	shalt  }
.Lfunc_end0:
.L_simem_size_0:
called_computation_lowered:
.L_overlay_start_0:
0x88: {  	s2 =	sld [smem:$0x3FD9]  }
0x89: {  	s3 =	sld [smem:$0x3FFE];
	_ =	sdelay $0x1  }
0x8a: {  	s1 =	srdreg.scid  }
0x8b: {  	s0 =	sand.u32 $0x1, s1  }
0x8c: {  	s17 =	sshll.u32 s0, $0xA;
	s2 =	sadd.s32 s3, s2  }
0x8d: {  	s2 =	sadd.s32 s2, s17  }
0x8e: {  	[smem:$0x3FAF] =	sst s2  }
0x8f: {  	_ = 	snop  }
0x90: {  	s2 =	sld [smem:$0x3FC6];
	(tm) =	ssettm $0x1  }
0x91: {  	s18 =	sld [smem:$0x3FFB];
	_ =	sdelay $0x3  }
0x92: {  	_ =	strace s18  }
0x93: {  	s3 =	sld [smem:$0x3FFC];
	_ =	sdelay $0x3  }
0x94: {  	_ =	strace s3  }
0x95: {  	s3 =	sld [smem:$0x3FFD];
	_ =	sdelay $0x3  }
0x96: {  	_ =	strace s3  }
0x97: {  	_ =	strace $0x8FFFFFFF  }
0x98: {  	s19 =	sld [smem:$0x3FDB];
	_ =	sdelay $0x1  }
0x99: {  	s4 =	simm.s32 $_scs_section_size  }
0x9a: {  	s5 =	simm.s32 $_size__tile_overlayer_lowered;
	s6 =	simm.s32 $_tile_overlayer_lowered  }
0x9b: {  	s22 =	simm.s32 $0x1BFF;
	s21 =	sshll.u32 s6, $0x1;
	s3 =	sadd.s32 s4, s19  }
0x9c: {  	s7 =	simm.s32 $0x0;
	s20 =	sshll.u32 s5, $0x1;
	s5 =	sadd.s32 s21, s3  }
0x9d: {  	[timem:s7], [sflag:s22] =	dma.local [hbm:s5], s20  }
0x9e: {  	_ =	swait.ge [sflag:s22], s20  }
0x9f: {  	s4 =	ssub.s32 $0x0, s20;
	[sflag:s22] =	ssyncset.done $0x0  }
0xa0: {  	[sflag:s22] =	ssyncadd.s32 s4;
	_ =	sdelay $0x1  }
0xa1: {  	s23 =	simm.s32 $0x1B8B  }
0xa2: {  	_ =	swait.ge [sflag:s23], $0x1  }
0xa3: {  	[sflag:s23] =	ssyncset.done $0x0  }
0xa4: {  	s25 =	simm.s32 $0x1B8E;
	s24 =	sld [smem:$0x3FFE];
	[sflag:s23] =	ssyncadd.s32 $0xFFFFFFFF  }
0xa5: {  	s26 =	simm.s32 $execute0_lowered;
	[smem:$0x3FD2] =	sst s25  }
0xa6: {  	s5 =	sshll.u32 s26, $0x1;
	_ =	strace $0x80000049;
	[dreg:$0x1] =	wrdreg $0xFFFFFFFF  }
0xa7: {  	s28 =	simm.s32 $_size_execute0_lowered;
	s3 =	sadd.s32 s3, s5;
	[dreg:$0x0] =	wrdreg $0x0  }
0xa8: {  	s5 =	sshll.u32 s28, $0x1;
	[dreg:$0x2] =	wrdreg s3  }
0xa9: {  	[dreg:$0x3] =	wrdreg s5  }
0xaa: {  	[dreg:$0x4] =	wrdreg $0xC0  }
0xab: {  	_ =	task [dreg:s7], $0x5FFFF  }
0xac: {  	[dreg:$0x1] =	wrdreg $0xFFFFFFFF  }
0xad: {  	[dreg:$0x0] =	wrdreg $0x60  }
0xae: {  	[dreg:$0x2] =	wrdreg s2  }
0xaf: {  	[dreg:$0x3] =	wrdreg s24  }
0xb0: {  	[dreg:$0x4] =	wrdreg $0x9  }
0xb1: {  	_ =	task.clear_ibuf [dreg:s7], $0x5FFFF;
	_ =	strace $0x90000049  }
0xb2: {  	s29 =	simm.s32 $0x9;
	_ =	strace $0x8000004B  }
0xb3: {  	_ =	swait.ge [sflag:s29], $0x1  }
0xb4: {  	[sflag:s29] =	ssyncadd.s32 $0xFFFFFFFF  }
0xb5: {  	_ =	strace $0x9000004B  }
0xb6: {  	_ =	sfence  }
0xb7: {  	s30 =	sld [smem:$0x0];
	_ =	sdelay $0x2  }
0xb8: {  	s31 =	sshll.u32 s1, $0xD;
	s1 =	sshrl.u32 s1, $0x2  }
0xb9: {  	s3 =	sand.u32 $0x4000, s31;
	s1 =	sadd.s32 s1, s30  }
0xba: {  	s0 =	sor.u32 s3, s0;
	s1 =	sshll.u32 s1, $0x11  }
0xbb: {  	s0 =	sor.u32 s1, s0  }
0xbc: {  	s0 =	sadd.s32 $0x8F2B, s0  }
0xbd: {  	[sflag:s0] =	ssyncadd.remote.s32 $0x1  }
0xbe: {  	_ =	sfence.sel $0xFFFF  }
0xbf: {  	[dreg:$0x0] =	wrdreg $0xFFFFFFFF;
	(pc) =	sbr.abs _section_cstart, $3  }
0xc0: {  	[dreg:$0x1] =	wrdreg $0xFFFFFFFF  }
0xc1: {  	_ =	task.clear_ibuf [dreg:s7], $0x2FFFF;
	_ =	strace $0x9FFFFFFF  }
0xc2: {  	(tm) =	ssettm $0x7FFFFFFF  }
0xc3: {  	_ =	shalt  }
tec
execute0_lowered:
.L_overlay_start_1:
0x0: {  	(tag) =	ssettag $0x1  }
0x1: {  	s1 =	srdreg.scid;
	s2 =	rddreg [dreg:$0x0]  }
0x2: {  	s0 =	stileid.u32;
	s6 =	rddreg [dreg:$0x1];
	s1 =	sshll.u32 s1, $0x5  }
0x3: {  	s7 =	simm.s32 $0x1;
	s3 =	sshll.u32 s0, $0x6;
	s1 =	sand.u32 $0x20, s1  }
0x4: {  	s30 =	simm.s32 $0x2;
	s31 =	simm.s32 $0x3;
	s3 =	sor.u32 s3, s1  }
0x5: {  	s11 =	simm.s32 $0x0;
	s9 =	simm.s32 $0x0;
	s5 =	ssub.s32 $0x800, s3  }
0x6: {  	s4 =	sadd.s32 $0x4200, s6;
	s6 =	sadd.s32 $0x3C00, s6;
	s8 =	sand.u32 $0x3E0, s5  }
0x7: {  	s1 =	rddreg [dreg:$0x2];
	_ =	strace $0x8000004A;
	p0 =	sne.s32 s8, $0x0  }
0x8: {  	[sflag:s7] =	ssyncpa.u1 $0x0;
	s5 =	sshrl.u32 s5, $0xA;
	s7 =	simm.s32 @!p0 $0x0  }
0x9: {  	s10 =	smov.u32 s3;
	[sflag:s30] =	ssyncpa.u1 $0x0;
	s5 =	sadd.s32 s7, s5  }
0xa: {  	[sflag:s31] =	ssyncpa.u1 $0x0;
	s8 =	simm.s32 $0x0;
	s7 =	sadd.s32 $0x1, s5  }
.LBB2_1:
0xb: {  	p0 =	sge.u32 s9, s5  }
0xc: {  	s31 =	sadd.s32 $0xFFFFFFFF, s9;
	s12 =	sxor.u32 @!p0 $0xFFFFFFFF, s8;
	s13 =	sshrl.u32 @!p0 s10, $0x3  }
0xd: {  	s14 =	sand.u32 @!p0 $0x7, s10;
	s12 =	sand.u32 @!p0 $0x20, s12;
	s13 =	sadd.s32 @!p0 s4, s13  }
0xe: {  	[tilespmem:s12], [sflag:$0x2] =	stream.linear.gather @!p0 [hbm4b:s13+s14], $0x20, $0x38;
	[tilespmem:$0x80] =	vst v63  }
0xf: {  	p0 =	sge.u32 s31, s5  }
0x10: {  	s12 =	simm.s32 @!p0 $0x2  }
0x11: {  	_ =	swait.ge @!p0 [sflag:s12], $0x20  }
0x12: {  	[sflag:s12] =	ssyncset.done @!p0 $0x0  }
0x13: {  	[sflag:s12] =	ssyncadd.s32 @!p0 $0xFFFFFFE0;
	s12 =	sand.u32 @!p0 $0x20, s8  }
0x14: {  	(ifvalue) =	ssetifvalue @!p0 $0x7FFFFFFF;
	v0 =	vld.msk @!p0 [tilespmem:s12+$0x0 ss:$0x1], $0xffff;
	_ =	sdelay $0x4  }
0x15: {  	vm0 =	vgt.s32 @!p0 v0, $0x0  }
0x16: {  	v0 =	vnsel @!p0 vm0, $0x0, v0  }
0x17: {  	v0 =	vmin.u32 @!p0 v0, $0x7DF;
	_ =	sdelay $0x2  }
0x18: {  	s14 =	simm.s32 @!p0 $0x0  }
0x19: {  	s13 =	sor.u32 @!p0 $0x40, s12;
	(ifvalue) =	ssetifvalue @!p0 $0x7FFFFFFF;
	s15 =	sor.u32 @!p0 $0x10, s12;
	vm0 =	vmmov @!p0 $0xffff  }
0x1a: {  	[tilespmem:s13], [sflag:$0x1] =	stream.indirect_vreg.gather @!p0 [hbm4b:s2+s14], $0x1, v0, vm0, $0x4038;
	[tilespmem:$0x80] =	vst v63  }
0x1b: {  	v0 =	vld.msk @!p0 [tilespmem:s15+$0x0 ss:$0x1], $0xffff;
	_ =	sdelay $0x4  }
0x1c: {  	vm1 =	vgt.s32 @!p0 v0, $0x0  }
0x1d: {  	v0 =	vnsel @!p0 vm1, $0x0, v0  }
0x1e: {  	v0 =	vmin.u32 @!p0 v0, $0x7DF;
	_ =	sdelay $0x3  }
0x1f: {  	s12 =	sor.u32 @!p0 $0x50, s12;
	(ifvalue) =	ssetifvalue @!p0 $0x7FFFFFFF  }
0x20: {  	[tilespmem:s12], [sflag:$0x1] =	stream.indirect_vreg.gather @!p0 [hbm4b:s2+s14], $0x1, v0, vm0, $0x4038;
	[tilespmem:$0x80] =	vst v63  }
0x21: {  	s12 =	simm.s32 @!p0 $0x1  }
0x22: {  	_ =	swait.ge @!p0 [sflag:s12], $0x20  }
0x23: {  	s14 =	sshrl.u32 @!p0 s11, $0x3;
	[sflag:s12] =	ssyncset.done @!p0 $0x0  }
0x24: {  	s11 =	sand.u32 @!p0 $0x7, s11;
	[sflag:s12] =	ssyncadd.s32 @!p0 $0xFFFFFFE0;
	s12 =	sadd.s32 @!p0 s6, s14  }
0x25: {  	[hbm4b:s12+s11] =	stream.linear.scatter @!p0 [tilespmem:s13], [sflag:$0x3], $0x20, $0x38;
	[tilespmem:$0x80] =	vst v63  }
0x26: {  	s13 =	sadd.s32 $0x400, s10  }
0x27: {  	p1 =	sgt.s32 s13, $0x7FF  }
0x28: {  	s13 =	smov.u32 @p1 s3;
	p1 =	sne.s32 s9, s7  }
.Ltmp0:
0x29: {  	p0 =	slt.u32 s9, $0x2;
	(pc) =	sbr.rel @p1 .LBB2_1-.Ltmp0, $4  }
0x2a: {  	s12 =	simm.s32 @!p0 $0x3  }
0x2b: {  	_ =	swait.ge @!p0 [sflag:s12], $0x20  }
0x2c: {  	s8 =	sadd.s32 $0x20, s8;
	s11 =	smov.u32 s10;
	[sflag:s12] =	ssyncset.done @!p0 $0x0  }
0x2d: {  	s9 =	sadd.s32 $0x1, s9;
	s10 =	smov.u32 s13;
	[sflag:s12] =	ssyncadd.s32 @!p0 $0xFFFFFFE0  }
0x2e: {  	_ =	sfence.sel $0x180000  }
0x2f: {  	s2 =	simm.s32 $0x2;
	[bflag:$0x0] =	sbarrier.arrive $0xFFFF  }
0x30: {  	s30 =	simm.s32 $0x3;
	[sflag:s2] =	ssyncpa.u1 $0x1  }
0x31: {  	s31 =	simm.s32 $0x1;
	[sflag:s30] =	ssyncpa.u1 $0x1  }
0x32: {  	[sflag:s31] =	ssyncpa.u1 $0x1  }
0x33: {  	p0 =	sne.s32 s0, $0x0;
	_ =	strace $0x9000004A  }
0x34: {  	s0 =	sadd.s32 @!p0 $0x100000, s1;
	[bflag:$0x2] =	sbarrier.arrive $0xFFFF  }
0x35: {  	[sflag:s0] =	ssyncadd.tile.s32 @!p0 $0x1;
	_ =	shalt  }
.Lfunc_end2:
_tile_overlayer_lowered:
.L_overlay_start_2:
0x36: {  	(tag) =	ssettag $0x2  }
0x37: {  	s0 =	rddreg [dreg:$0x0];
	s2 =	stileid.u32  }
0x38: {  	s1 =	rddreg [dreg:$0x1];
	p0 =	sne.s32 s2, $0x0  }
0x39: {  	s3 =	rddreg [dreg:$0x2];
	[bflag:$0x3] =	sbarrier.arrive $0xFFFF;
	s2 =	simm.s32 @!p0 $0x1C01  }
0x3a: {  	[timem:s3], [sflag:s2] =	dma.local @!p0 [hbm:s0], s1  }
0x3b: {  	s0 =	simm.s32 @!p0 $0x1  }
0x3c: {  	_ =	swait.ge @!p0 [sflag:s0], s1  }
0x3d: {  	s1 =	ssub.s32 @!p0 $0x0, s1;
	[sflag:s0] =	ssyncset.done @!p0 $0x0  }
0x3e: {  	[sflag:s0] =	ssyncadd.s32 @!p0 s1  }
0x3f: {  	[bflag:$0x3] =	sbarrier.arrive $0xFFFF  }
0x40: {  	_ =	shalt  }

</sc_bundles>
